<compile_context>
chip_gen: v7x
topology: tpu7x:2x2x1
jax: 0.10.2.dev20260603
libtpu: 0.0.44.dev20260713+nightly
codegen_flags: <defaults>
</compile_context>

<pallas_src>
import jax
import jax.numpy as jnp
from jax import lax
from jax.experimental import pallas as pl
from jax.experimental.pallas import tpu as pltpu
from jax.experimental.pallas import tpu_sc as plsc

N_EDGES = 320000
D_FEAT = 128
N_SEGMENTS = 10000

NUM_CORES = 2
NUM_SUBCORES = 16
NUM_WORKERS = NUM_CORES * NUM_SUBCORES
LANES = 16
NREG = D_FEAT // LANES

SEGS_PER_WORKER = 320
OUT_PAD = SEGS_PER_WORKER * NUM_WORKERS
CHUNK = 200
NUM_CHUNKS = N_EDGES // CHUNK


def _body(feats_hbm, batch_hbm, parms_hbm, out_hbm, pv, bbuf, fbuf, local):
    wid = lax.axis_index("s") * NUM_CORES + lax.axis_index("c")
    pltpu.sync_copy(parms_hbm, pv)
    c0 = pv[pl.ds(wid, LANES)][0]
    c1 = pv[pl.ds(NUM_WORKERS + wid, LANES)][0]
    s_lo = wid * SEGS_PER_WORKER

    ones = jnp.ones((LANES,), jnp.float32)

    def init_row(i, carry):
        for k in range(NREG):
            local[i, pl.ds(LANES * k, LANES)] = ones
        return carry

    lax.fori_loop(0, SEGS_PER_WORKER + 1, init_row, 0)

    def chunk_body(c, carry):
        accs, b_prev = carry
        pltpu.sync_copy(batch_hbm.at[pl.ds(c * CHUNK, CHUNK)],
                        bbuf.at[pl.ds(0, CHUNK)])
        pltpu.sync_copy(feats_hbm.at[pl.ds(c * CHUNK, CHUNK)], fbuf)

        def row_body(j, rc):
            raccs, rb_prev = rc
            b = bbuf[pl.ds(j, LANES)][0]
            f = jnp.where(b == rb_prev, jnp.float32(1.0), jnp.float32(0.0))
            fv = jnp.broadcast_to(f, (LANES,))
            omv = jnp.broadcast_to(jnp.float32(1.0) - f, (LANES,))
            rel = b - s_lo
            oob = (rel < 0) | (rel >= SEGS_PER_WORKER)
            idx = jnp.where(oob, SEGS_PER_WORKER, rel)
            new_accs = []
            for k in range(NREG):
                row = fbuf[j, pl.ds(LANES * k, LANES)]
                a = row * (raccs[k] * fv + omv)
                local[idx, pl.ds(LANES * k, LANES)] = a
                new_accs.append(a)
            return tuple(new_accs), b

        return lax.fori_loop(0, CHUNK, row_body, (accs, b_prev))

    init = (tuple(ones for _ in range(NREG)), jnp.int32(-1))
    lax.fori_loop(c0, c1, chunk_body, init)

    pltpu.sync_copy(
        local.at[pl.ds(0, SEGS_PER_WORKER)],
        out_hbm.at[pl.ds(s_lo, SEGS_PER_WORKER)],
    )


_sc_call = pl.kernel(
    _body,
    out_type=jax.ShapeDtypeStruct((OUT_PAD, D_FEAT), jnp.float32),
    mesh=plsc.VectorSubcoreMesh(core_axis_name="c", subcore_axis_name="s"),
    scratch_types=[
        pltpu.VMEM((2 * NUM_WORKERS + LANES,), jnp.int32),
        pltpu.VMEM((CHUNK + LANES,), jnp.int32),
        pltpu.VMEM((CHUNK, D_FEAT), jnp.float32),
        pltpu.VMEM((SEGS_PER_WORKER + 8, D_FEAT), jnp.float32),
    ],
)


@jax.jit
def kernel(feats, batch):
    batch = batch.astype(jnp.int32)
    seg_bounds = jnp.arange(NUM_WORKERS + 1, dtype=jnp.int32) * SEGS_PER_WORKER
    row_bounds = jnp.searchsorted(batch, seg_bounds, side="left").astype(
        jnp.int32)
    c0 = row_bounds[:-1] // CHUNK
    c1 = -(-row_bounds[1:] // CHUNK)
    parms = jnp.concatenate(
        [c0, c1, jnp.zeros((LANES,), jnp.int32)]).astype(jnp.int32)
    out = _sc_call(feats, batch, parms)
    return out[:N_SEGMENTS]

# --- scband reference (transcript-rebuilt; emitter-appended) ---
"""Pipeline reference for scband-pool-prod-6871947674133 (READ-ONLY COPY).

The authoritative reference and input builder live on the scoring server;
editing this copy changes nothing except your own understanding.
"""

import jax, jax.numpy as jnp
import numpy as np

N_EDGES = 320000
D_FEAT = 128
N_SEGMENTS = 10000

def setup_inputs(seed: int = 0) -> dict:
    key = jax.random.key(seed)
    k1, k2 = jax.random.split(key)
    feats = jax.random.normal(k1, (N_EDGES, D_FEAT), dtype=jnp.float32)
    batch = jnp.sort(jax.random.randint(k2, (N_EDGES,), 0, N_SEGMENTS, dtype=jnp.int64))
    return {"feats": feats, "batch": batch}

def reference(feats, batch):
    # torch_scatter.scatter_mul(feats, batch, dim=0): segment-wise product along dim 0,
    # identity 1 for empty segments. Faithful jax equivalent: jax.ops.segment_prod.
    out = jax.ops.segment_prod(feats, batch, num_segments=N_SEGMENTS)
    return out

if __name__ == "__main__":
    import jax
    _d = setup_inputs()
    print(jax.jit(kernel)(*tuple(_d.values())))

</pallas_src>

<mosaic_0001>
#map = affine_map<(d0, d1) -> (0, 0)>
#map1 = affine_map<(d0, d1) -> (0)>
module attributes {stable_mosaic.version = 14 : i64} {
  func.func @_body(%arg0: i32, %arg1: i32, %arg2: memref<320000x128xf32, #tpu.memory_space<hbm>>, %arg3: memref<320000xi32, #tpu.memory_space<hbm>>, %arg4: memref<80xi32, #tpu.memory_space<hbm>>, %arg5: memref<10240x128xf32, #tpu.memory_space<hbm>>, %arg6: memref<80xi32, #tpu.memory_space<vmem>>, %arg7: memref<216xi32, #tpu.memory_space<vmem>>, %arg8: memref<200x128xf32, #tpu.memory_space<vmem>>, %arg9: memref<328x128xf32, #tpu.memory_space<vmem>>) attributes {dimension_semantics = [#tpu.dimension_semantics<core_parallel>, #tpu.dimension_semantics<subcore_parallel>], iteration_bounds = array<i64: 2, 16>, scalar_prefetch = 0 : i64, scratch_operands = 4 : i64, tpu.core_type = #tpu.core_type<sc_vector_subcore>, window_params = [{transform_indices = #map}, {transform_indices = #map1}, {transform_indices = #map1}, {transform_indices = #map}]} {
    %mul3A = arith.constant 2 : i32
    %mul3A_0 = arith.muli %arg1, %mul3A : i32
    %add3A = arith.addi %mul3A_0, %arg0 : i32
    "tpu.region"() ({
      %run_scoped3A = tpu.sem_alloc : memref<!tpu.dma_semaphore, #tpu.memory_space<semaphore_mem>>
      tpu.enqueue_dma source(%arg4 : memref<80xi32, #tpu.memory_space<hbm>>) target(%arg6 : memref<80xi32, #tpu.memory_space<vmem>>) target_semaphore(%run_scoped3A : memref<!tpu.dma_semaphore, #tpu.memory_space<semaphore_mem>>)
      tpu.wait_dma2 semaphore(%run_scoped3A : memref<!tpu.dma_semaphore, #tpu.memory_space<semaphore_mem>>) src(%arg4 : memref<80xi32, #tpu.memory_space<hbm>>) dst(%arg6 : memref<80xi32, #tpu.memory_space<vmem>>)
      tpu.yield
    }) : () -> ()
    %get3A = arith.index_cast %add3A : i32 to index
    %get3A_1 = tpu.vector_load %arg6[%get3A] {strides = array<i32>} : memref<80xi32, #tpu.memory_space<vmem>>, vector<16xi32>,
    %get3A_2 = vector.shape_cast %get3A_1 : vector<16xi32> to vector<16xi32>
    %slice3A = vector.extract_strided_slice %get3A_2 {offsets = [0], sizes = [1], strides = [1]} : vector<16xi32> to vector<1xi32>
    %squeeze3A = vector.extract %slice3A[0] : i32 from vector<1xi32>
    %add3A_3 = arith.constant 32 : i32
    %add3A_4 = arith.addi %add3A_3, %add3A : i32
    %get3A_5 = arith.index_cast %add3A_4 : i32 to index
    %get3A_6 = tpu.vector_load %arg6[%get3A_5] {strides = array<i32>} : memref<80xi32, #tpu.memory_space<vmem>>, vector<16xi32>,
    %get3A_7 = vector.shape_cast %get3A_6 : vector<16xi32> to vector<16xi32>
    %slice3A_8 = vector.extract_strided_slice %get3A_7 {offsets = [0], sizes = [1], strides = [1]} : vector<16xi32> to vector<1xi32>
    %squeeze3A_9 = vector.extract %slice3A_8[0] : i32 from vector<1xi32>
    %mul3A_10 = arith.constant 320 : i32
    %mul3A_11 = arith.muli %add3A, %mul3A_10 : i32
    %broadcast_in_dim3A = arith.constant 1.000000e+00 : f32
    %broadcast_in_dim3A_12 = vector.broadcast %broadcast_in_dim3A : f32 to vector<16xf32>
    %scan3A = arith.constant 0 : i32
    %scan3A_13 = arith.constant 0 : i32
    %scan3A_14 = arith.constant 321 : i32
    %scan3A_15 = arith.addi %scan3A_13, %scan3A_14 : i32
    %scan3A_16 = arith.constant 1 : i32
    scf.for %scan3A_28 = %scan3A_13 to %scan3A_15 step %scan3A_16  : i32 {
      %swap3A = arith.index_cast %scan3A_28 : i32 to index
      %swap3A_29 = arith.constant 0 : index
      %swap3A_30 = tpu.vector_load %arg9[%swap3A, %swap3A_29] {strides = array<i32>} : memref<328x128xf32, #tpu.memory_space<vmem>>, vector<1x16xf32>,
      %swap3A_31 = vector.shape_cast %swap3A_30 : vector<1x16xf32> to vector<16xf32>
      %swap3A_32 = vector.shape_cast %broadcast_in_dim3A_12 : vector<16xf32> to vector<1x16xf32>
      tpu.vector_store %arg9[%swap3A, %swap3A_29], %swap3A_32 {strides = array<i32>} : memref<328x128xf32, #tpu.memory_space<vmem>>, vector<1x16xf32>,
      %swap3A_33 = arith.index_cast %scan3A_28 : i32 to index
      %swap3A_34 = arith.constant 16 : index
      %swap3A_35 = tpu.vector_load %arg9[%swap3A_33, %swap3A_34] {strides = array<i32>} : memref<328x128xf32, #tpu.memory_space<vmem>>, vector<1x16xf32>,
      %swap3A_36 = vector.shape_cast %swap3A_35 : vector<1x16xf32> to vector<16xf32>
      %swap3A_37 = vector.shape_cast %broadcast_in_dim3A_12 : vector<16xf32> to vector<1x16xf32>
      tpu.vector_store %arg9[%swap3A_33, %swap3A_34], %swap3A_37 {strides = array<i32>} : memref<328x128xf32, #tpu.memory_space<vmem>>, vector<1x16xf32>,
      %swap3A_38 = arith.index_cast %scan3A_28 : i32 to index
      %swap3A_39 = arith.constant 32 : index
      %swap3A_40 = tpu.vector_load %arg9[%swap3A_38, %swap3A_39] {strides = array<i32>} : memref<328x128xf32, #tpu.memory_space<vmem>>, vector<1x16xf32>,
      %swap3A_41 = vector.shape_cast %swap3A_40 : vector<1x16xf32> to vector<16xf32>
      %swap3A_42 = vector.shape_cast %broadcast_in_dim3A_12 : vector<16xf32> to vector<1x16xf32>
      tpu.vector_store %arg9[%swap3A_38, %swap3A_39], %swap3A_42 {strides = array<i32>} : memref<328x128xf32, #tpu.memory_space<vmem>>, vector<1x16xf32>,
      %swap3A_43 = arith.index_cast %scan3A_28 : i32 to index
      %swap3A_44 = arith.constant 48 : index
      %swap3A_45 = tpu.vector_load %arg9[%swap3A_43, %swap3A_44] {strides = array<i32>} : memref<328x128xf32, #tpu.memory_space<vmem>>, vector<1x16xf32>,
      %swap3A_46 = vector.shape_cast %swap3A_45 : vector<1x16xf32> to vector<16xf32>
      %swap3A_47 = vector.shape_cast %broadcast_in_dim3A_12 : vector<16xf32> to vector<1x16xf32>
      tpu.vector_store %arg9[%swap3A_43, %swap3A_44], %swap3A_47 {strides = array<i32>} : memref<328x128xf32, #tpu.memory_space<vmem>>, vector<1x16xf32>,
      %swap3A_48 = arith.index_cast %scan3A_28 : i32 to index
      %swap3A_49 = arith.constant 64 : index
      %swap3A_50 = tpu.vector_load %arg9[%swap3A_48, %swap3A_49] {strides = array<i32>} : memref<328x128xf32, #tpu.memory_space<vmem>>, vector<1x16xf32>,
      %swap3A_51 = vector.shape_cast %swap3A_50 : vector<1x16xf32> to vector<16xf32>
      %swap3A_52 = vector.shape_cast %broadcast_in_dim3A_12 : vector<16xf32> to vector<1x16xf32>
      tpu.vector_store %arg9[%swap3A_48, %swap3A_49], %swap3A_52 {strides = array<i32>} : memref<328x128xf32, #tpu.memory_space<vmem>>, vector<1x16xf32>,
      %swap3A_53 = arith.index_cast %scan3A_28 : i32 to index
      %swap3A_54 = arith.constant 80 : index
      %swap3A_55 = tpu.vector_load %arg9[%swap3A_53, %swap3A_54] {strides = array<i32>} : memref<328x128xf32, #tpu.memory_space<vmem>>, vector<1x16xf32>,
      %swap3A_56 = vector.shape_cast %swap3A_55 : vector<1x16xf32> to vector<16xf32>
      %swap3A_57 = vector.shape_cast %broadcast_in_dim3A_12 : vector<16xf32> to vector<1x16xf32>
      tpu.vector_store %arg9[%swap3A_53, %swap3A_54], %swap3A_57 {strides = array<i32>} : memref<328x128xf32, #tpu.memory_space<vmem>>, vector<1x16xf32>,
      %swap3A_58 = arith.index_cast %scan3A_28 : i32 to index
      %swap3A_59 = arith.constant 96 : index
      %swap3A_60 = tpu.vector_load %arg9[%swap3A_58, %swap3A_59] {strides = array<i32>} : memref<328x128xf32, #tpu.memory_space<vmem>>, vector<1x16xf32>,
      %swap3A_61 = vector.shape_cast %swap3A_60 : vector<1x16xf32> to vector<16xf32>
      %swap3A_62 = vector.shape_cast %broadcast_in_dim3A_12 : vector<16xf32> to vector<1x16xf32>
      tpu.vector_store %arg9[%swap3A_58, %swap3A_59], %swap3A_62 {strides = array<i32>} : memref<328x128xf32, #tpu.memory_space<vmem>>, vector<1x16xf32>,
      %swap3A_63 = arith.index_cast %scan3A_28 : i32 to index
      %swap3A_64 = arith.constant 112 : index
      %swap3A_65 = tpu.vector_load %arg9[%swap3A_63, %swap3A_64] {strides = array<i32>} : memref<328x128xf32, #tpu.memory_space<vmem>>, vector<1x16xf32>,
      %swap3A_66 = vector.shape_cast %swap3A_65 : vector<1x16xf32> to vector<16xf32>
      %swap3A_67 = vector.shape_cast %broadcast_in_dim3A_12 : vector<16xf32> to vector<1x16xf32>
      tpu.vector_store %arg9[%swap3A_63, %swap3A_64], %swap3A_67 {strides = array<i32>} : memref<328x128xf32, #tpu.memory_space<vmem>>, vector<1x16xf32>,
    }
    %scan3A_17 = arith.constant 321 : i32
    %while3A = arith.constant -1 : i32
    %while3A_18 = arith.subi %squeeze3A_9, %squeeze3A : i32
    %while3A_19 = arith.addi %squeeze3A, %while3A_18 : i32
    %while3A_20 = arith.constant 1 : i32
    %while3A_21 = arith.divsi %while3A_18, %while3A_20 : i32
    %while3A_22 = arith.muli %while3A_21, %while3A_20 : i32
    %while3A_23 = arith.addi %squeeze3A, %while3A_22 : i32
    %while3A_24 = arith.constant 1 : i32
    %while3A_25:9 = scf.for %while3A_28 = %squeeze3A to %while3A_23 step %while3A_24 iter_args(%while3A_29 = %broadcast_in_dim3A_12, %while3A_30 = %broadcast_in_dim3A_12, %while3A_31 = %broadcast_in_dim3A_12, %while3A_32 = %broadcast_in_dim3A_12, %while3A_33 = %broadcast_in_dim3A_12, %while3A_34 = %broadcast_in_dim3A_12, %while3A_35 = %broadcast_in_dim3A_12, %while3A_36 = %broadcast_in_dim3A_12, %while3A_37 = %while3A) -> (vector<16xf32>, vector<16xf32>, vector<16xf32>, vector<16xf32>, vector<16xf32>, vector<16xf32>, vector<16xf32>, vector<16xf32>, i32)  : i32 {
      %mul3A_38 = arith.constant 200 : i32
      %mul3A_39 = arith.muli %while3A_28, %mul3A_38 : i32
      "tpu.region"() ({
        %run_scoped3A = tpu.sem_alloc : memref<!tpu.dma_semaphore, #tpu.memory_space<semaphore_mem>>
        %dma_start3A = arith.constant 0 : i32
        %dma_start3A_48 = tpu.memref_slice %arg7[%dma_start3A] : memref<216xi32, #tpu.memory_space<vmem>> -> memref<200xi32, #tpu.memory_space<vmem>>
        %dma_start3A_49 = tpu.memref_slice %arg3[%mul3A_39] : memref<320000xi32, #tpu.memory_space<hbm>> -> memref<200xi32, #tpu.memory_space<hbm>>
        %dma_start3A_50 = arith.constant 0 : i32
        %dma_start3A_51 = tpu.memref_slice %arg7[%dma_start3A_50] : memref<216xi32, #tpu.memory_space<vmem>> -> memref<200xi32, #tpu.memory_space<vmem>>
        %dma_start3A_52 = tpu.memref_slice %arg3[%mul3A_39] : memref<320000xi32, #tpu.memory_space<hbm>> -> memref<200xi32, #tpu.memory_space<hbm>>
        tpu.enqueue_dma source(%dma_start3A_52 : memref<200xi32, #tpu.memory_space<hbm>>) target(%dma_start3A_51 : memref<200xi32, #tpu.memory_space<vmem>>) target_semaphore(%run_scoped3A : memref<!tpu.dma_semaphore, #tpu.memory_space<semaphore_mem>>)
        %dma_wait3A = arith.constant 0 : i32
        %dma_wait3A_53 = tpu.memref_slice %arg7[%dma_wait3A] : memref<216xi32, #tpu.memory_space<vmem>> -> memref<200xi32, #tpu.memory_space<vmem>>
        %dma_wait3A_54 = tpu.memref_slice %arg3[%mul3A_39] : memref<320000xi32, #tpu.memory_space<hbm>> -> memref<200xi32, #tpu.memory_space<hbm>>
        %dma_wait3A_55 = arith.constant 0 : i32
        %dma_wait3A_56 = tpu.memref_slice %arg7[%dma_wait3A_55] : memref<216xi32, #tpu.memory_space<vmem>> -> memref<200xi32, #tpu.memory_space<vmem>>
        %dma_wait3A_57 = tpu.memref_slice %arg3[%mul3A_39] : memref<320000xi32, #tpu.memory_space<hbm>> -> memref<200xi32, #tpu.memory_space<hbm>>
        tpu.wait_dma2 semaphore(%run_scoped3A : memref<!tpu.dma_semaphore, #tpu.memory_space<semaphore_mem>>) src(%dma_wait3A_57 : memref<200xi32, #tpu.memory_space<hbm>>) dst(%dma_wait3A_56 : memref<200xi32, #tpu.memory_space<vmem>>)
        tpu.yield
      }) : () -> ()
      %mul3A_40 = arith.constant 200 : i32
      %mul3A_41 = arith.muli %while3A_28, %mul3A_40 : i32
      "tpu.region"() ({
        %run_scoped3A = tpu.sem_alloc : memref<!tpu.dma_semaphore, #tpu.memory_space<semaphore_mem>>
        %dma_start3A = arith.constant 0 : i32
        %dma_start3A_48 = tpu.memref_slice %arg2[%mul3A_41, %dma_start3A] : memref<320000x128xf32, #tpu.memory_space<hbm>> -> memref<200x128xf32, #tpu.memory_space<hbm>>
        %dma_start3A_49 = arith.constant 0 : i32
        %dma_start3A_50 = tpu.memref_slice %arg2[%mul3A_41, %dma_start3A_49] : memref<320000x128xf32, #tpu.memory_space<hbm>> -> memref<200x128xf32, #tpu.memory_space<hbm>>
        tpu.enqueue_dma source(%dma_start3A_50 : memref<200x128xf32, #tpu.memory_space<hbm>>) target(%arg8 : memref<200x128xf32, #tpu.memory_space<vmem>>) target_semaphore(%run_scoped3A : memref<!tpu.dma_semaphore, #tpu.memory_space<semaphore_mem>>)
        %dma_wait3A = arith.constant 0 : i32
        %dma_wait3A_51 = tpu.memref_slice %arg2[%mul3A_41, %dma_wait3A] : memref<320000x128xf32, #tpu.memory_space<hbm>> -> memref<200x128xf32, #tpu.memory_space<hbm>>
        %dma_wait3A_52 = arith.constant 0 : i32
        %dma_wait3A_53 = tpu.memref_slice %arg2[%mul3A_41, %dma_wait3A_52] : memref<320000x128xf32, #tpu.memory_space<hbm>> -> memref<200x128xf32, #tpu.memory_space<hbm>>
        tpu.wait_dma2 semaphore(%run_scoped3A : memref<!tpu.dma_semaphore, #tpu.memory_space<semaphore_mem>>) src(%dma_wait3A_53 : memref<200x128xf32, #tpu.memory_space<hbm>>) dst(%arg8 : memref<200x128xf32, #tpu.memory_space<vmem>>)
        tpu.yield
      }) : () -> ()
      %scan3A_42 = arith.constant 0 : i32
      %scan3A_43 = arith.constant 200 : i32
      %scan3A_44 = arith.addi %scan3A_42, %scan3A_43 : i32
      %scan3A_45 = arith.constant 1 : i32
      %scan3A_46:9 = scf.for %scan3A_48 = %scan3A_42 to %scan3A_44 step %scan3A_45 iter_args(%scan3A_49 = %while3A_29, %scan3A_50 = %while3A_30, %scan3A_51 = %while3A_31, %scan3A_52 = %while3A_32, %scan3A_53 = %while3A_33, %scan3A_54 = %while3A_34, %scan3A_55 = %while3A_35, %scan3A_56 = %while3A_36, %scan3A_57 = %while3A_37) -> (vector<16xf32>, vector<16xf32>, vector<16xf32>, vector<16xf32>, vector<16xf32>, vector<16xf32>, vector<16xf32>, vector<16xf32>, i32)  : i32 {
        %get3A_58 = arith.index_cast %scan3A_48 : i32 to index
        %get3A_59 = tpu.vector_load %arg7[%get3A_58] {strides = array<i32>} : memref<216xi32, #tpu.memory_space<vmem>>, vector<16xi32>,
        %get3A_60 = vector.shape_cast %get3A_59 : vector<16xi32> to vector<16xi32>
        %slice3A_61 = vector.extract_strided_slice %get3A_60 {offsets = [0], sizes = [1], strides = [1]} : vector<16xi32> to vector<1xi32>
        %squeeze3A_62 = vector.extract %slice3A_61[0] : i32 from vector<1xi32>
        %eq3A = arith.cmpi eq, %squeeze3A_62, %scan3A_57 : i32
        %jit3A = arith.constant 1.000000e+00 : f32
        %jit3A_63 = arith.constant 0.000000e+00 : f32
        %select_n3A = arith.select %eq3A, %jit3A, %jit3A_63 : f32
        %broadcast_in_dim3A_64 = vector.broadcast %select_n3A : f32 to vector<16xf32>
        %sub3A = arith.constant 1.000000e+00 : f32
        %sub3A_65 = arith.subf %sub3A, %select_n3A : f32
        %broadcast_in_dim3A_66 = vector.broadcast %sub3A_65 : f32 to vector<16xf32>
        %sub3A_67 = arith.subi %squeeze3A_62, %mul3A_11 : i32
        %lt3A = arith.constant 0 : i32
        %lt3A_68 = arith.cmpi slt, %sub3A_67, %lt3A : i32
        %ge3A = arith.constant 320 : i32
        %ge3A_69 = arith.cmpi sge, %sub3A_67, %ge3A : i32
        %or3A = arith.ori %lt3A_68, %ge3A_69 : i1
        %jit3A_70 = arith.constant 320 : i32
        %select_n3A_71 = arith.select %or3A, %jit3A_70, %sub3A_67 : i32
        %get3A_72 = arith.index_cast %scan3A_48 : i32 to index
        %get3A_73 = arith.constant 0 : index
        %get3A_74 = tpu.vector_load %arg8[%get3A_72, %get3A_73] {strides = array<i32>} : memref<200x128xf32, #tpu.memory_space<vmem>>, vector<1x16xf32>,
        %get3A_75 = vector.shape_cast %get3A_74 : vector<1x16xf32> to vector<16xf32>
        %mul3A_76 = arith.mulf %scan3A_49, %broadcast_in_dim3A_64 : vector<16xf32>
        %add3A_77 = arith.addf %mul3A_76, %broadcast_in_dim3A_66 : vector<16xf32>
        %mul3A_78 = arith.mulf %get3A_75, %add3A_77 : vector<16xf32>
        %swap3A = arith.index_cast %select_n3A_71 : i32 to index
        %swap3A_79 = arith.constant 0 : index
        %swap3A_80 = tpu.vector_load %arg9[%swap3A, %swap3A_79] {strides = array<i32>} : memref<328x128xf32, #tpu.memory_space<vmem>>, vector<1x16xf32>,
        %swap3A_81 = vector.shape_cast %swap3A_80 : vector<1x16xf32> to vector<16xf32>
        %swap3A_82 = vector.shape_cast %mul3A_78 : vector<16xf32> to vector<1x16xf32>
        tpu.vector_store %arg9[%swap3A, %swap3A_79], %swap3A_82 {strides = array<i32>} : memref<328x128xf32, #tpu.memory_space<vmem>>, vector<1x16xf32>,
        %get3A_83 = arith.index_cast %scan3A_48 : i32 to index
        %get3A_84 = arith.constant 16 : index
        %get3A_85 = tpu.vector_load %arg8[%get3A_83, %get3A_84] {strides = array<i32>} : memref<200x128xf32, #tpu.memory_space<vmem>>, vector<1x16xf32>,
        %get3A_86 = vector.shape_cast %get3A_85 : vector<1x16xf32> to vector<16xf32>
        %mul3A_87 = arith.mulf %scan3A_50, %broadcast_in_dim3A_64 : vector<16xf32>
        %add3A_88 = arith.addf %mul3A_87, %broadcast_in_dim3A_66 : vector<16xf32>
        %mul3A_89 = arith.mulf %get3A_86, %add3A_88 : vector<16xf32>
        %swap3A_90 = arith.index_cast %select_n3A_71 : i32 to index
        %swap3A_91 = arith.constant 16 : index
        %swap3A_92 = tpu.vector_load %arg9[%swap3A_90, %swap3A_91] {strides = array<i32>} : memref<328x128xf32, #tpu.memory_space<vmem>>, vector<1x16xf32>,
        %swap3A_93 = vector.shape_cast %swap3A_92 : vector<1x16xf32> to vector<16xf32>
        %swap3A_94 = vector.shape_cast %mul3A_89 : vector<16xf32> to vector<1x16xf32>
        tpu.vector_store %arg9[%swap3A_90, %swap3A_91], %swap3A_94 {strides = array<i32>} : memref<328x128xf32, #tpu.memory_space<vmem>>, vector<1x16xf32>,
        %get3A_95 = arith.index_cast %scan3A_48 : i32 to index
        %get3A_96 = arith.constant 32 : index
        %get3A_97 = tpu.vector_load %arg8[%get3A_95, %get3A_96] {strides = array<i32>} : memref<200x128xf32, #tpu.memory_space<vmem>>, vector<1x16xf32>,
        %get3A_98 = vector.shape_cast %get3A_97 : vector<1x16xf32> to vector<16xf32>
        %mul3A_99 = arith.mulf %scan3A_51, %broadcast_in_dim3A_64 : vector<16xf32>
        %add3A_100 = arith.addf %mul3A_99, %broadcast_in_dim3A_66 : vector<16xf32>
        %mul3A_101 = arith.mulf %get3A_98, %add3A_100 : vector<16xf32>
        %swap3A_102 = arith.index_cast %select_n3A_71 : i32 to index
        %swap3A_103 = arith.constant 32 : index
        %swap3A_104 = tpu.vector_load %arg9[%swap3A_102, %swap3A_103] {strides = array<i32>} : memref<328x128xf32, #tpu.memory_space<vmem>>, vector<1x16xf32>,
        %swap3A_105 = vector.shape_cast %swap3A_104 : vector<1x16xf32> to vector<16xf32>
        %swap3A_106 = vector.shape_cast %mul3A_101 : vector<16xf32> to vector<1x16xf32>
        tpu.vector_store %arg9[%swap3A_102, %swap3A_103], %swap3A_106 {strides = array<i32>} : memref<328x128xf32, #tpu.memory_space<vmem>>, vector<1x16xf32>,
        %get3A_107 = arith.index_cast %scan3A_48 : i32 to index
        %get3A_108 = arith.constant 48 : index
        %get3A_109 = tpu.vector_load %arg8[%get3A_107, %get3A_108] {strides = array<i32>} : memref<200x128xf32, #tpu.memory_space<vmem>>, vector<1x16xf32>,
        %get3A_110 = vector.shape_cast %get3A_109 : vector<1x16xf32> to vector<16xf32>
        %mul3A_111 = arith.mulf %scan3A_52, %broadcast_in_dim3A_64 : vector<16xf32>
        %add3A_112 = arith.addf %mul3A_111, %broadcast_in_dim3A_66 : vector<16xf32>
        %mul3A_113 = arith.mulf %get3A_110, %add3A_112 : vector<16xf32>
        %swap3A_114 = arith.index_cast %select_n3A_71 : i32 to index
        %swap3A_115 = arith.constant 48 : index
        %swap3A_116 = tpu.vector_load %arg9[%swap3A_114, %swap3A_115] {strides = array<i32>} : memref<328x128xf32, #tpu.memory_space<vmem>>, vector<1x16xf32>,
        %swap3A_117 = vector.shape_cast %swap3A_116 : vector<1x16xf32> to vector<16xf32>
        %swap3A_118 = vector.shape_cast %mul3A_113 : vector<16xf32> to vector<1x16xf32>
        tpu.vector_store %arg9[%swap3A_114, %swap3A_115], %swap3A_118 {strides = array<i32>} : memref<328x128xf32, #tpu.memory_space<vmem>>, vector<1x16xf32>,
        %get3A_119 = arith.index_cast %scan3A_48 : i32 to index
        %get3A_120 = arith.constant 64 : index
        %get3A_121 = tpu.vector_load %arg8[%get3A_119, %get3A_120] {strides = array<i32>} : memref<200x128xf32, #tpu.memory_space<vmem>>, vector<1x16xf32>,
        %get3A_122 = vector.shape_cast %get3A_121 : vector<1x16xf32> to vector<16xf32>
        %mul3A_123 = arith.mulf %scan3A_53, %broadcast_in_dim3A_64 : vector<16xf32>
        %add3A_124 = arith.addf %mul3A_123, %broadcast_in_dim3A_66 : vector<16xf32>
        %mul3A_125 = arith.mulf %get3A_122, %add3A_124 : vector<16xf32>
        %swap3A_126 = arith.index_cast %select_n3A_71 : i32 to index
        %swap3A_127 = arith.constant 64 : index
        %swap3A_128 = tpu.vector_load %arg9[%swap3A_126, %swap3A_127] {strides = array<i32>} : memref<328x128xf32, #tpu.memory_space<vmem>>, vector<1x16xf32>,
        %swap3A_129 = vector.shape_cast %swap3A_128 : vector<1x16xf32> to vector<16xf32>
        %swap3A_130 = vector.shape_cast %mul3A_125 : vector<16xf32> to vector<1x16xf32>
        tpu.vector_store %arg9[%swap3A_126, %swap3A_127], %swap3A_130 {strides = array<i32>} : memref<328x128xf32, #tpu.memory_space<vmem>>, vector<1x16xf32>,
        %get3A_131 = arith.index_cast %scan3A_48 : i32 to index
        %get3A_132 = arith.constant 80 : index
        %get3A_133 = tpu.vector_load %arg8[%get3A_131, %get3A_132] {strides = array<i32>} : memref<200x128xf32, #tpu.memory_space<vmem>>, vector<1x16xf32>,
        %get3A_134 = vector.shape_cast %get3A_133 : vector<1x16xf32> to vector<16xf32>
        %mul3A_135 = arith.mulf %scan3A_54, %broadcast_in_dim3A_64 : vector<16xf32>
        %add3A_136 = arith.addf %mul3A_135, %broadcast_in_dim3A_66 : vector<16xf32>
        %mul3A_137 = arith.mulf %get3A_134, %add3A_136 : vector<16xf32>
        %swap3A_138 = arith.index_cast %select_n3A_71 : i32 to index
        %swap3A_139 = arith.constant 80 : index
        %swap3A_140 = tpu.vector_load %arg9[%swap3A_138, %swap3A_139] {strides = array<i32>} : memref<328x128xf32, #tpu.memory_space<vmem>>, vector<1x16xf32>,
        %swap3A_141 = vector.shape_cast %swap3A_140 : vector<1x16xf32> to vector<16xf32>
        %swap3A_142 = vector.shape_cast %mul3A_137 : vector<16xf32> to vector<1x16xf32>
        tpu.vector_store %arg9[%swap3A_138, %swap3A_139], %swap3A_142 {strides = array<i32>} : memref<328x128xf32, #tpu.memory_space<vmem>>, vector<1x16xf32>,
        %get3A_143 = arith.index_cast %scan3A_48 : i32 to index
        %get3A_144 = arith.constant 96 : index
        %get3A_145 = tpu.vector_load %arg8[%get3A_143, %get3A_144] {strides = array<i32>} : memref<200x128xf32, #tpu.memory_space<vmem>>, vector<1x16xf32>,
        %get3A_146 = vector.shape_cast %get3A_145 : vector<1x16xf32> to vector<16xf32>
        %mul3A_147 = arith.mulf %scan3A_55, %broadcast_in_dim3A_64 : vector<16xf32>
        %add3A_148 = arith.addf %mul3A_147, %broadcast_in_dim3A_66 : vector<16xf32>
        %mul3A_149 = arith.mulf %get3A_146, %add3A_148 : vector<16xf32>
        %swap3A_150 = arith.index_cast %select_n3A_71 : i32 to index
        %swap3A_151 = arith.constant 96 : index
        %swap3A_152 = tpu.vector_load %arg9[%swap3A_150, %swap3A_151] {strides = array<i32>} : memref<328x128xf32, #tpu.memory_space<vmem>>, vector<1x16xf32>,
        %swap3A_153 = vector.shape_cast %swap3A_152 : vector<1x16xf32> to vector<16xf32>
        %swap3A_154 = vector.shape_cast %mul3A_149 : vector<16xf32> to vector<1x16xf32>
        tpu.vector_store %arg9[%swap3A_150, %swap3A_151], %swap3A_154 {strides = array<i32>} : memref<328x128xf32, #tpu.memory_space<vmem>>, vector<1x16xf32>,
        %get3A_155 = arith.index_cast %scan3A_48 : i32 to index
        %get3A_156 = arith.constant 112 : index
        %get3A_157 = tpu.vector_load %arg8[%get3A_155, %get3A_156] {strides = array<i32>} : memref<200x128xf32, #tpu.memory_space<vmem>>, vector<1x16xf32>,
        %get3A_158 = vector.shape_cast %get3A_157 : vector<1x16xf32> to vector<16xf32>
        %mul3A_159 = arith.mulf %scan3A_56, %broadcast_in_dim3A_64 : vector<16xf32>
        %add3A_160 = arith.addf %mul3A_159, %broadcast_in_dim3A_66 : vector<16xf32>
        %mul3A_161 = arith.mulf %get3A_158, %add3A_160 : vector<16xf32>
        %swap3A_162 = arith.index_cast %select_n3A_71 : i32 to index
        %swap3A_163 = arith.constant 112 : index
        %swap3A_164 = tpu.vector_load %arg9[%swap3A_162, %swap3A_163] {strides = array<i32>} : memref<328x128xf32, #tpu.memory_space<vmem>>, vector<1x16xf32>,
        %swap3A_165 = vector.shape_cast %swap3A_164 : vector<1x16xf32> to vector<16xf32>
        %swap3A_166 = vector.shape_cast %mul3A_161 : vector<16xf32> to vector<1x16xf32>
        tpu.vector_store %arg9[%swap3A_162, %swap3A_163], %swap3A_166 {strides = array<i32>} : memref<328x128xf32, #tpu.memory_space<vmem>>, vector<1x16xf32>,
        scf.yield %mul3A_78, %mul3A_89, %mul3A_101, %mul3A_113, %mul3A_125, %mul3A_137, %mul3A_149, %mul3A_161, %squeeze3A_62 : vector<16xf32>, vector<16xf32>, vector<16xf32>, vector<16xf32>, vector<16xf32>, vector<16xf32>, vector<16xf32>, vector<16xf32>, i32
      }
      %scan3A_47 = arith.constant 200 : i32
      scf.yield %scan3A_46#0, %scan3A_46#1, %scan3A_46#2, %scan3A_46#3, %scan3A_46#4, %scan3A_46#5, %scan3A_46#6, %scan3A_46#7, %scan3A_46#8 : vector<16xf32>, vector<16xf32>, vector<16xf32>, vector<16xf32>, vector<16xf32>, vector<16xf32>, vector<16xf32>, vector<16xf32>, i32
    }
    %while3A_26 = arith.constant 1 : i32
    %while3A_27:9 = scf.for %while3A_28 = %while3A_23 to %while3A_19 step %while3A_26 iter_args(%while3A_29 = %while3A_25#0, %while3A_30 = %while3A_25#1, %while3A_31 = %while3A_25#2, %while3A_32 = %while3A_25#3, %while3A_33 = %while3A_25#4, %while3A_34 = %while3A_25#5, %while3A_35 = %while3A_25#6, %while3A_36 = %while3A_25#7, %while3A_37 = %while3A_25#8) -> (vector<16xf32>, vector<16xf32>, vector<16xf32>, vector<16xf32>, vector<16xf32>, vector<16xf32>, vector<16xf32>, vector<16xf32>, i32)  : i32 {
      %mul3A_38 = arith.constant 200 : i32
      %mul3A_39 = arith.muli %while3A_28, %mul3A_38 : i32
      "tpu.region"() ({
        %run_scoped3A = tpu.sem_alloc : memref<!tpu.dma_semaphore, #tpu.memory_space<semaphore_mem>>
        %dma_start3A = arith.constant 0 : i32
        %dma_start3A_48 = tpu.memref_slice %arg7[%dma_start3A] : memref<216xi32, #tpu.memory_space<vmem>> -> memref<200xi32, #tpu.memory_space<vmem>>
        %dma_start3A_49 = tpu.memref_slice %arg3[%mul3A_39] : memref<320000xi32, #tpu.memory_space<hbm>> -> memref<200xi32, #tpu.memory_space<hbm>>
        %dma_start3A_50 = arith.constant 0 : i32
        %dma_start3A_51 = tpu.memref_slice %arg7[%dma_start3A_50] : memref<216xi32, #tpu.memory_space<vmem>> -> memref<200xi32, #tpu.memory_space<vmem>>
        %dma_start3A_52 = tpu.memref_slice %arg3[%mul3A_39] : memref<320000xi32, #tpu.memory_space<hbm>> -> memref<200xi32, #tpu.memory_space<hbm>>
        tpu.enqueue_dma source(%dma_start3A_52 : memref<200xi32, #tpu.memory_space<hbm>>) target(%dma_start3A_51 : memref<200xi32, #tpu.memory_space<vmem>>) target_semaphore(%run_scoped3A : memref<!tpu.dma_semaphore, #tpu.memory_space<semaphore_mem>>)
        %dma_wait3A = arith.constant 0 : i32
        %dma_wait3A_53 = tpu.memref_slice %arg7[%dma_wait3A] : memref<216xi32, #tpu.memory_space<vmem>> -> memref<200xi32, #tpu.memory_space<vmem>>
        %dma_wait3A_54 = tpu.memref_slice %arg3[%mul3A_39] : memref<320000xi32, #tpu.memory_space<hbm>> -> memref<200xi32, #tpu.memory_space<hbm>>
        %dma_wait3A_55 = arith.constant 0 : i32
        %dma_wait3A_56 = tpu.memref_slice %arg7[%dma_wait3A_55] : memref<216xi32, #tpu.memory_space<vmem>> -> memref<200xi32, #tpu.memory_space<vmem>>
        %dma_wait3A_57 = tpu.memref_slice %arg3[%mul3A_39] : memref<320000xi32, #tpu.memory_space<hbm>> -> memref<200xi32, #tpu.memory_space<hbm>>
        tpu.wait_dma2 semaphore(%run_scoped3A : memref<!tpu.dma_semaphore, #tpu.memory_space<semaphore_mem>>) src(%dma_wait3A_57 : memref<200xi32, #tpu.memory_space<hbm>>) dst(%dma_wait3A_56 : memref<200xi32, #tpu.memory_space<vmem>>)
        tpu.yield
      }) : () -> ()
      %mul3A_40 = arith.constant 200 : i32
      %mul3A_41 = arith.muli %while3A_28, %mul3A_40 : i32
      "tpu.region"() ({
        %run_scoped3A = tpu.sem_alloc : memref<!tpu.dma_semaphore, #tpu.memory_space<semaphore_mem>>
        %dma_start3A = arith.constant 0 : i32
        %dma_start3A_48 = tpu.memref_slice %arg2[%mul3A_41, %dma_start3A] : memref<320000x128xf32, #tpu.memory_space<hbm>> -> memref<200x128xf32, #tpu.memory_space<hbm>>
        %dma_start3A_49 = arith.constant 0 : i32
        %dma_start3A_50 = tpu.memref_slice %arg2[%mul3A_41, %dma_start3A_49] : memref<320000x128xf32, #tpu.memory_space<hbm>> -> memref<200x128xf32, #tpu.memory_space<hbm>>
        tpu.enqueue_dma source(%dma_start3A_50 : memref<200x128xf32, #tpu.memory_space<hbm>>) target(%arg8 : memref<200x128xf32, #tpu.memory_space<vmem>>) target_semaphore(%run_scoped3A : memref<!tpu.dma_semaphore, #tpu.memory_space<semaphore_mem>>)
        %dma_wait3A = arith.constant 0 : i32
        %dma_wait3A_51 = tpu.memref_slice %arg2[%mul3A_41, %dma_wait3A] : memref<320000x128xf32, #tpu.memory_space<hbm>> -> memref<200x128xf32, #tpu.memory_space<hbm>>
        %dma_wait3A_52 = arith.constant 0 : i32
        %dma_wait3A_53 = tpu.memref_slice %arg2[%mul3A_41, %dma_wait3A_52] : memref<320000x128xf32, #tpu.memory_space<hbm>> -> memref<200x128xf32, #tpu.memory_space<hbm>>
        tpu.wait_dma2 semaphore(%run_scoped3A : memref<!tpu.dma_semaphore, #tpu.memory_space<semaphore_mem>>) src(%dma_wait3A_53 : memref<200x128xf32, #tpu.memory_space<hbm>>) dst(%arg8 : memref<200x128xf32, #tpu.memory_space<vmem>>)
        tpu.yield
      }) : () -> ()
      %scan3A_42 = arith.constant 0 : i32
      %scan3A_43 = arith.constant 200 : i32
      %scan3A_44 = arith.addi %scan3A_42, %scan3A_43 : i32
      %scan3A_45 = arith.constant 1 : i32
      %scan3A_46:9 = scf.for %scan3A_48 = %scan3A_42 to %scan3A_44 step %scan3A_45 iter_args(%scan3A_49 = %while3A_29, %scan3A_50 = %while3A_30, %scan3A_51 = %while3A_31, %scan3A_52 = %while3A_32, %scan3A_53 = %while3A_33, %scan3A_54 = %while3A_34, %scan3A_55 = %while3A_35, %scan3A_56 = %while3A_36, %scan3A_57 = %while3A_37) -> (vector<16xf32>, vector<16xf32>, vector<16xf32>, vector<16xf32>, vector<16xf32>, vector<16xf32>, vector<16xf32>, vector<16xf32>, i32)  : i32 {
        %get3A_58 = arith.index_cast %scan3A_48 : i32 to index
        %get3A_59 = tpu.vector_load %arg7[%get3A_58] {strides = array<i32>} : memref<216xi32, #tpu.memory_space<vmem>>, vector<16xi32>,
        %get3A_60 = vector.shape_cast %get3A_59 : vector<16xi32> to vector<16xi32>
        %slice3A_61 = vector.extract_strided_slice %get3A_60 {offsets = [0], sizes = [1], strides = [1]} : vector<16xi32> to vector<1xi32>
        %squeeze3A_62 = vector.extract %slice3A_61[0] : i32 from vector<1xi32>
        %eq3A = arith.cmpi eq, %squeeze3A_62, %scan3A_57 : i32
        %jit3A = arith.constant 1.000000e+00 : f32
        %jit3A_63 = arith.constant 0.000000e+00 : f32
        %select_n3A = arith.select %eq3A, %jit3A, %jit3A_63 : f32
        %broadcast_in_dim3A_64 = vector.broadcast %select_n3A : f32 to vector<16xf32>
        %sub3A = arith.constant 1.000000e+00 : f32
        %sub3A_65 = arith.subf %sub3A, %select_n3A : f32
        %broadcast_in_dim3A_66 = vector.broadcast %sub3A_65 : f32 to vector<16xf32>
        %sub3A_67 = arith.subi %squeeze3A_62, %mul3A_11 : i32
        %lt3A = arith.constant 0 : i32
        %lt3A_68 = arith.cmpi slt, %sub3A_67, %lt3A : i32
        %ge3A = arith.constant 320 : i32
        %ge3A_69 = arith.cmpi sge, %sub3A_67, %ge3A : i32
        %or3A = arith.ori %lt3A_68, %ge3A_69 : i1
        %jit3A_70 = arith.constant 320 : i32
        %select_n3A_71 = arith.select %or3A, %jit3A_70, %sub3A_67 : i32
        %get3A_72 = arith.index_cast %scan3A_48 : i32 to index
        %get3A_73 = arith.constant 0 : index
        %get3A_74 = tpu.vector_load %arg8[%get3A_72, %get3A_73] {strides = array<i32>} : memref<200x128xf32, #tpu.memory_space<vmem>>, vector<1x16xf32>,
        %get3A_75 = vector.shape_cast %get3A_74 : vector<1x16xf32> to vector<16xf32>
        %mul3A_76 = arith.mulf %scan3A_49, %broadcast_in_dim3A_64 : vector<16xf32>
        %add3A_77 = arith.addf %mul3A_76, %broadcast_in_dim3A_66 : vector<16xf32>
        %mul3A_78 = arith.mulf %get3A_75, %add3A_77 : vector<16xf32>
        %swap3A = arith.index_cast %select_n3A_71 : i32 to index
        %swap3A_79 = arith.constant 0 : index
        %swap3A_80 = tpu.vector_load %arg9[%swap3A, %swap3A_79] {strides = array<i32>} : memref<328x128xf32, #tpu.memory_space<vmem>>, vector<1x16xf32>,
        %swap3A_81 = vector.shape_cast %swap3A_80 : vector<1x16xf32> to vector<16xf32>
        %swap3A_82 = vector.shape_cast %mul3A_78 : vector<16xf32> to vector<1x16xf32>
        tpu.vector_store %arg9[%swap3A, %swap3A_79], %swap3A_82 {strides = array<i32>} : memref<328x128xf32, #tpu.memory_space<vmem>>, vector<1x16xf32>,
        %get3A_83 = arith.index_cast %scan3A_48 : i32 to index
        %get3A_84 = arith.constant 16 : index
        %get3A_85 = tpu.vector_load %arg8[%get3A_83, %get3A_84] {strides = array<i32>} : memref<200x128xf32, #tpu.memory_space<vmem>>, vector<1x16xf32>,
        %get3A_86 = vector.shape_cast %get3A_85 : vector<1x16xf32> to vector<16xf32>
        %mul3A_87 = arith.mulf %scan3A_50, %broadcast_in_dim3A_64 : vector<16xf32>
        %add3A_88 = arith.addf %mul3A_87, %broadcast_in_dim3A_66 : vector<16xf32>
        %mul3A_89 = arith.mulf %get3A_86, %add3A_88 : vector<16xf32>
        %swap3A_90 = arith.index_cast %select_n3A_71 : i32 to index
        %swap3A_91 = arith.constant 16 : index
        %swap3A_92 = tpu.vector_load %arg9[%swap3A_90, %swap3A_91] {strides = array<i32>} : memref<328x128xf32, #tpu.memory_space<vmem>>, vector<1x16xf32>,
        %swap3A_93 = vector.shape_cast %swap3A_92 : vector<1x16xf32> to vector<16xf32>
        %swap3A_94 = vector.shape_cast %mul3A_89 : vector<16xf32> to vector<1x16xf32>
        tpu.vector_store %arg9[%swap3A_90, %swap3A_91], %swap3A_94 {strides = array<i32>} : memref<328x128xf32, #tpu.memory_space<vmem>>, vector<1x16xf32>,
        %get3A_95 = arith.index_cast %scan3A_48 : i32 to index
        %get3A_96 = arith.constant 32 : index
        %get3A_97 = tpu.vector_load %arg8[%get3A_95, %get3A_96] {strides = array<i32>} : memref<200x128xf32, #tpu.memory_space<vmem>>, vector<1x16xf32>,
        %get3A_98 = vector.shape_cast %get3A_97 : vector<1x16xf32> to vector<16xf32>
        %mul3A_99 = arith.mulf %scan3A_51, %broadcast_in_dim3A_64 : vector<16xf32>
        %add3A_100 = arith.addf %mul3A_99, %broadcast_in_dim3A_66 : vector<16xf32>
        %mul3A_101 = arith.mulf %get3A_98, %add3A_100 : vector<16xf32>
        %swap3A_102 = arith.index_cast %select_n3A_71 : i32 to index
        %swap3A_103 = arith.constant 32 : index
        %swap3A_104 = tpu.vector_load %arg9[%swap3A_102, %swap3A_103] {strides = array<i32>} : memref<328x128xf32, #tpu.memory_space<vmem>>, vector<1x16xf32>,
        %swap3A_105 = vector.shape_cast %swap3A_104 : vector<1x16xf32> to vector<16xf32>
        %swap3A_106 = vector.shape_cast %mul3A_101 : vector<16xf32> to vector<1x16xf32>
        tpu.vector_store %arg9[%swap3A_102, %swap3A_103], %swap3A_106 {strides = array<i32>} : memref<328x128xf32, #tpu.memory_space<vmem>>, vector<1x16xf32>,
        %get3A_107 = arith.index_cast %scan3A_48 : i32 to index
        %get3A_108 = arith.constant 48 : index
        %get3A_109 = tpu.vector_load %arg8[%get3A_107, %get3A_108] {strides = array<i32>} : memref<200x128xf32, #tpu.memory_space<vmem>>, vector<1x16xf32>,
        %get3A_110 = vector.shape_cast %get3A_109 : vector<1x16xf32> to vector<16xf32>
        %mul3A_111 = arith.mulf %scan3A_52, %broadcast_in_dim3A_64 : vector<16xf32>
        %add3A_112 = arith.addf %mul3A_111, %broadcast_in_dim3A_66 : vector<16xf32>
        %mul3A_113 = arith.mulf %get3A_110, %add3A_112 : vector<16xf32>
        %swap3A_114 = arith.index_cast %select_n3A_71 : i32 to index
        %swap3A_115 = arith.constant 48 : index
        %swap3A_116 = tpu.vector_load %arg9[%swap3A_114, %swap3A_115] {strides = array<i32>} : memref<328x128xf32, #tpu.memory_space<vmem>>, vector<1x16xf32>,
        %swap3A_117 = vector.shape_cast %swap3A_116 : vector<1x16xf32> to vector<16xf32>
        %swap3A_118 = vector.shape_cast %mul3A_113 : vector<16xf32> to vector<1x16xf32>
        tpu.vector_store %arg9[%swap3A_114, %swap3A_115], %swap3A_118 {strides = array<i32>} : memref<328x128xf32, #tpu.memory_space<vmem>>, vector<1x16xf32>,
        %get3A_119 = arith.index_cast %scan3A_48 : i32 to index
        %get3A_120 = arith.constant 64 : index
        %get3A_121 = tpu.vector_load %arg8[%get3A_119, %get3A_120] {strides = array<i32>} : memref<200x128xf32, #tpu.memory_space<vmem>>, vector<1x16xf32>,
        %get3A_122 = vector.shape_cast %get3A_121 : vector<1x16xf32> to vector<16xf32>
        %mul3A_123 = arith.mulf %scan3A_53, %broadcast_in_dim3A_64 : vector<16xf32>
        %add3A_124 = arith.addf %mul3A_123, %broadcast_in_dim3A_66 : vector<16xf32>
        %mul3A_125 = arith.mulf %get3A_122, %add3A_124 : vector<16xf32>
        %swap3A_126 = arith.index_cast %select_n3A_71 : i32 to index
        %swap3A_127 = arith.constant 64 : index
        %swap3A_128 = tpu.vector_load %arg9[%swap3A_126, %swap3A_127] {strides = array<i32>} : memref<328x128xf32, #tpu.memory_space<vmem>>, vector<1x16xf32>,
        %swap3A_129 = vector.shape_cast %swap3A_128 : vector<1x16xf32> to vector<16xf32>
        %swap3A_130 = vector.shape_cast %mul3A_125 : vector<16xf32> to vector<1x16xf32>
        tpu.vector_store %arg9[%swap3A_126, %swap3A_127], %swap3A_130 {strides = array<i32>} : memref<328x128xf32, #tpu.memory_space<vmem>>, vector<1x16xf32>,
        %get3A_131 = arith.index_cast %scan3A_48 : i32 to index
        %get3A_132 = arith.constant 80 : index
        %get3A_133 = tpu.vector_load %arg8[%get3A_131, %get3A_132] {strides = array<i32>} : memref<200x128xf32, #tpu.memory_space<vmem>>, vector<1x16xf32>,
        %get3A_134 = vector.shape_cast %get3A_133 : vector<1x16xf32> to vector<16xf32>
        %mul3A_135 = arith.mulf %scan3A_54, %broadcast_in_dim3A_64 : vector<16xf32>
        %add3A_136 = arith.addf %mul3A_135, %broadcast_in_dim3A_66 : vector<16xf32>
        %mul3A_137 = arith.mulf %get3A_134, %add3A_136 : vector<16xf32>
        %swap3A_138 = arith.index_cast %select_n3A_71 : i32 to index
        %swap3A_139 = arith.constant 80 : index
        %swap3A_140 = tpu.vector_load %arg9[%swap3A_138, %swap3A_139] {strides = array<i32>} : memref<328x128xf32, #tpu.memory_space<vmem>>, vector<1x16xf32>,
        %swap3A_141 = vector.shape_cast %swap3A_140 : vector<1x16xf32> to vector<16xf32>
        %swap3A_142 = vector.shape_cast %mul3A_137 : vector<16xf32> to vector<1x16xf32>
        tpu.vector_store %arg9[%swap3A_138, %swap3A_139], %swap3A_142 {strides = array<i32>} : memref<328x128xf32, #tpu.memory_space<vmem>>, vector<1x16xf32>,
        %get3A_143 = arith.index_cast %scan3A_48 : i32 to index
        %get3A_144 = arith.constant 96 : index
        %get3A_145 = tpu.vector_load %arg8[%get3A_143, %get3A_144] {strides = array<i32>} : memref<200x128xf32, #tpu.memory_space<vmem>>, vector<1x16xf32>,
        %get3A_146 = vector.shape_cast %get3A_145 : vector<1x16xf32> to vector<16xf32>
        %mul3A_147 = arith.mulf %scan3A_55, %broadcast_in_dim3A_64 : vector<16xf32>
        %add3A_148 = arith.addf %mul3A_147, %broadcast_in_dim3A_66 : vector<16xf32>
        %mul3A_149 = arith.mulf %get3A_146, %add3A_148 : vector<16xf32>
        %swap3A_150 = arith.index_cast %select_n3A_71 : i32 to index
        %swap3A_151 = arith.constant 96 : index
        %swap3A_152 = tpu.vector_load %arg9[%swap3A_150, %swap3A_151] {strides = array<i32>} : memref<328x128xf32, #tpu.memory_space<vmem>>, vector<1x16xf32>,
        %swap3A_153 = vector.shape_cast %swap3A_152 : vector<1x16xf32> to vector<16xf32>
        %swap3A_154 = vector.shape_cast %mul3A_149 : vector<16xf32> to vector<1x16xf32>
        tpu.vector_store %arg9[%swap3A_150, %swap3A_151], %swap3A_154 {strides = array<i32>} : memref<328x128xf32, #tpu.memory_space<vmem>>, vector<1x16xf32>,
        %get3A_155 = arith.index_cast %scan3A_48 : i32 to index
        %get3A_156 = arith.constant 112 : index
        %get3A_157 = tpu.vector_load %arg8[%get3A_155, %get3A_156] {strides = array<i32>} : memref<200x128xf32, #tpu.memory_space<vmem>>, vector<1x16xf32>,
        %get3A_158 = vector.shape_cast %get3A_157 : vector<1x16xf32> to vector<16xf32>
        %mul3A_159 = arith.mulf %scan3A_56, %broadcast_in_dim3A_64 : vector<16xf32>
        %add3A_160 = arith.addf %mul3A_159, %broadcast_in_dim3A_66 : vector<16xf32>
        %mul3A_161 = arith.mulf %get3A_158, %add3A_160 : vector<16xf32>
        %swap3A_162 = arith.index_cast %select_n3A_71 : i32 to index
        %swap3A_163 = arith.constant 112 : index
        %swap3A_164 = tpu.vector_load %arg9[%swap3A_162, %swap3A_163] {strides = array<i32>} : memref<328x128xf32, #tpu.memory_space<vmem>>, vector<1x16xf32>,
        %swap3A_165 = vector.shape_cast %swap3A_164 : vector<1x16xf32> to vector<16xf32>
        %swap3A_166 = vector.shape_cast %mul3A_161 : vector<16xf32> to vector<1x16xf32>
        tpu.vector_store %arg9[%swap3A_162, %swap3A_163], %swap3A_166 {strides = array<i32>} : memref<328x128xf32, #tpu.memory_space<vmem>>, vector<1x16xf32>,
        scf.yield %mul3A_78, %mul3A_89, %mul3A_101, %mul3A_113, %mul3A_125, %mul3A_137, %mul3A_149, %mul3A_161, %squeeze3A_62 : vector<16xf32>, vector<16xf32>, vector<16xf32>, vector<16xf32>, vector<16xf32>, vector<16xf32>, vector<16xf32>, vector<16xf32>, i32
      }
      %scan3A_47 = arith.constant 200 : i32
      scf.yield %scan3A_46#0, %scan3A_46#1, %scan3A_46#2, %scan3A_46#3, %scan3A_46#4, %scan3A_46#5, %scan3A_46#6, %scan3A_46#7, %scan3A_46#8 : vector<16xf32>, vector<16xf32>, vector<16xf32>, vector<16xf32>, vector<16xf32>, vector<16xf32>, vector<16xf32>, vector<16xf32>, i32
    }
    "tpu.region"() ({
      %run_scoped3A = tpu.sem_alloc : memref<!tpu.dma_semaphore, #tpu.memory_space<semaphore_mem>>
      %dma_start3A = arith.constant 0 : i32
      %dma_start3A_28 = arith.constant 0 : i32
      %dma_start3A_29 = tpu.memref_slice %arg9[%dma_start3A, %dma_start3A_28] : memref<328x128xf32, #tpu.memory_space<vmem>> -> memref<320x128xf32, #tpu.memory_space<vmem>>
      %dma_start3A_30 = arith.constant 0 : i32
      %dma_start3A_31 = tpu.memref_slice %arg5[%mul3A_11, %dma_start3A_30] : memref<10240x128xf32, #tpu.memory_space<hbm>> -> memref<320x128xf32, #tpu.memory_space<hbm>>
      %dma_start3A_32 = arith.constant 0 : i32
      %dma_start3A_33 = tpu.memref_slice %arg5[%mul3A_11, %dma_start3A_32] : memref<10240x128xf32, #tpu.memory_space<hbm>> -> memref<320x128xf32, #tpu.memory_space<hbm>>
      %dma_start3A_34 = arith.constant 0 : i32
      %dma_start3A_35 = arith.constant 0 : i32
      %dma_start3A_36 = tpu.memref_slice %arg9[%dma_start3A_34, %dma_start3A_35] : memref<328x128xf32, #tpu.memory_space<vmem>> -> memref<320x128xf32, #tpu.memory_space<vmem>>
      tpu.enqueue_dma source(%dma_start3A_36 : memref<320x128xf32, #tpu.memory_space<vmem>>) target(%dma_start3A_33 : memref<320x128xf32, #tpu.memory_space<hbm>>) target_semaphore(%run_scoped3A : memref<!tpu.dma_semaphore, #tpu.memory_space<semaphore_mem>>)
      %dma_wait3A = arith.constant 0 : i32
      %dma_wait3A_37 = arith.constant 0 : i32
      %dma_wait3A_38 = tpu.memref_slice %arg9[%dma_wait3A, %dma_wait3A_37] : memref<328x128xf32, #tpu.memory_space<vmem>> -> memref<320x128xf32, #tpu.memory_space<vmem>>
      %dma_wait3A_39 = arith.constant 0 : i32
      %dma_wait3A_40 = tpu.memref_slice %arg5[%mul3A_11, %dma_wait3A_39] : memref<10240x128xf32, #tpu.memory_space<hbm>> -> memref<320x128xf32, #tpu.memory_space<hbm>>
      %dma_wait3A_41 = arith.constant 0 : i32
      %dma_wait3A_42 = tpu.memref_slice %arg5[%mul3A_11, %dma_wait3A_41] : memref<10240x128xf32, #tpu.memory_space<hbm>> -> memref<320x128xf32, #tpu.memory_space<hbm>>
      %dma_wait3A_43 = arith.constant 0 : i32
      %dma_wait3A_44 = arith.constant 0 : i32
      %dma_wait3A_45 = tpu.memref_slice %arg9[%dma_wait3A_43, %dma_wait3A_44] : memref<328x128xf32, #tpu.memory_space<vmem>> -> memref<320x128xf32, #tpu.memory_space<vmem>>
      tpu.wait_dma2 semaphore(%run_scoped3A : memref<!tpu.dma_semaphore, #tpu.memory_space<semaphore_mem>>) src(%dma_wait3A_45 : memref<320x128xf32, #tpu.memory_space<vmem>>) dst(%dma_wait3A_42 : memref<320x128xf32, #tpu.memory_space<hbm>>)
      tpu.yield
    }) : () -> ()
    return
  }
}

</mosaic_0001>

<sc_bundles>
// kernel: kernel.3.cloned.1.call-start
scs
__scs_entry_jumppad:
0x0: {  	(pc) =	sbr.rel $0x88, $3  }
0x1: {  	(tag) =	ssettag $0x0;
	lr =	simm.s32 $0x1  }
0x2: {  	[smem:$0x3F9F] =	sst lr;
	_ =	strace $0xD0000000  }
0x3: {  	_ = 	snop  }
0x4: {  	_ = 	snop  }
0x5: {  	_ = 	snop  }
0x6: {  	_ = 	snop  }
0x7: {  	_ = 	snop  }
__scs_overlays_trampoline_lowered:
0x8: {  	[smem:$0x3FAE] =	sst s0  }
0x9: {  	[smem:$0x3FAF] =	sst s1  }
0xa: {  	[smem:$0x3FB0] =	sst s2  }
0xb: {  	[smem:$0x3FB1] =	sst s3  }
0xc: {  	[smem:$0x3FB2] =	sst s4  }
0xd: {  	[smem:$0x3FB3] =	sst s5  }
0xe: {  	[smem:$0x3FB4] =	sst s6  }
0xf: {  	[smem:$0x3FB5] =	sst s7  }
0x10: {  	[smem:$0x3FB6] =	sst s8  }
0x11: {  	[smem:$0x3FB7] =	sst s9;
	s0 =	simm.s32 @!p0 $0x0  }
0x12: {  	s1 =	sld [smem:$0x3F9D];
	s0 =	simm.s32 @p0 $0x1  }
0x13: {  	[smem:$0x3FB8] =	sst s0;
	s0 =	simm.s32 @!p1 $0x0  }
0x14: {  	s2 =	sld [smem:$0x3F9C];
	s0 =	simm.s32 @p1 $0x1  }
0x15: {  	[smem:$0x3FB9] =	sst s0;
	s0 =	simm.s32 @!p2 $0x0  }
0x16: {  	s3 =	sld [smem:$0x3FDB];
	s0 =	simm.s32 @p2 $0x1  }
0x17: {  	s4 =	simm.s32 $0x1BF5;
	[smem:$0x3FBB] =	sst s0  }
0x18: {  	s0 =	sld [smem:$0x3F9E];
	_ =	swait.ge [sflag:s4], $0x0  }
0x19: {  	s7 =	sld [smem:$0x3F9F]  }
0x1a: {  	s8 =	sadd.s32 $0xFFFFE003, lr  }
0x1b: {  	s9 =	sadd.s32 $0xFFFFFEF7, lr;
	s5 =	simm.s32 $0xFFFFFFFF;
	p2 =	slt.u32 s8, $0xFFFFF086  }
0x1c: {  	p1 =	slt.u32 s9, $0xF7A;
	s5 =	simm.s32 @!p2 $0x0  }
0x1d: {  	s5 =	simm.s32 @p1 $0x1;
	p0 =	seq.s32 s7, s2  }
0x1e: {  	s7 =	smul.u32 @!p0 $0xF7A, s2;
	p2 =	seq.s32 @!p0 s5, $0x0  }
0x1f: {  	s9 =	smul.u32 $0xF7A, s1;
	s8 =	simm.s32 @!p0 $0x1BF5;
	p2 =	por !p2, p0  }
0x20: {  	[sflag:s8] =	ssyncset.s32 @!p0 $0xFFFFF086;
	s6 =	sadd.s32 @!p0 s3, s7;
	s7 =	simm.s32 @!p0 $0x108  }
0x21: {  	s3 =	sadd.s32 s3, s9;
	s6 =	sadd.s32 @!p0 $0x88, s6;
	s7 =	simm.s32 @p2 $0x1082  }
0x22: {  	[simem:s7], [sflag:s8] =	dma.local @!p0 [hbm:s6], $0xF7A  }
0x23: {  	s9 =	sor.u32 $0xD0000000, s2;
	s6 =	simm.s32 $0x108;
	_ =	swait.ge @!p0 [sflag:s8], $0x0  }
0x24: {  	s3 =	sadd.s32 $0x88, s3;
	s6 =	simm.s32 @!p1 $0x1082;
	[sflag:s4] =	ssyncset.s32 $0xFFFFF086  }
0x25: {  	[simem:s6], [sflag:s4] =	dma.local [hbm:s3], $0xF7A  }
0x26: {  	[smem:$0x3F9F] =	sst s1;
	(tag) =	ssettag s2;
	_ =	strace s9  }
0x27: {  	s1 =	sld [smem:$0x3FAF]  }
0x28: {  	s2 =	sld [smem:$0x3FB0]  }
0x29: {  	s4 =	sld [smem:$0x3FB2]  }
0x2a: {  	p0 =	seq.s32 s5, $0x0;
	s5 =	sld [smem:$0x3FB3]  }
0x2b: {  	s6 =	sld [smem:$0x3FB4]  }
0x2c: {  	s7 =	sld [smem:$0x3FB5]  }
0x2d: {  	s3 =	simm.s32 $0x108;
	s8 =	sld [smem:$0x3FB6]  }
0x2e: {  	s3 =	simm.s32 @!p0 $0x1082;
	s9 =	sld [smem:$0x3FB7]  }
0x2f: {  	lr =	sadd.s32 s0, s3;
	s0 =	sld [smem:$0x3FAE]  }
0x30: {  	s3 =	sld [smem:$0x3FB1]  }
0x31: {  	[smem:$0x3FBA] =	sst s10  }
0x32: {  	s10 =	sld [smem:$0x3FB8];
	_ =	sdelay $0x3  }
0x33: {  	p0 =	seq.s32 s10, $0x1;
	s10 =	sld [smem:$0x3FBA];
	_ =	sdelay $0x3  }
0x34: {  	[smem:$0x3FBA] =	sst s10  }
0x35: {  	s10 =	sld [smem:$0x3FB9];
	_ =	sdelay $0x3  }
0x36: {  	p1 =	seq.s32 s10, $0x1;
	s10 =	sld [smem:$0x3FBA];
	_ =	sdelay $0x3  }
0x37: {  	[smem:$0x3FBA] =	sst s10  }
0x38: {  	s10 =	sld [smem:$0x3FBB]  }
0x39: {  	_ = 	snop;
	(pc) =	sbr.ind lr, $3  }
0x3a: {  	_ = 	snop  }
0x3b: {  	_ = 	snop  }
0x3c: {  	p2 =	seq.s32 s10, $0x1;
	s10 =	sld [smem:$0x3FBA]  }
0x3d: {  	_ =	shalt  }
0x3e: {  	_ =	shalt  }
0x3f: {  	_ =	shalt  }
0x40: {  	_ =	shalt  }
0x41: {  	_ =	shalt  }
0x42: {  	_ =	shalt  }
0x43: {  	_ =	shalt  }
0x44: {  	_ =	shalt  }
0x45: {  	_ =	shalt  }
0x46: {  	_ =	shalt  }
0x47: {  	_ =	shalt  }
0x48: {  	_ =	shalt  }
0x49: {  	_ =	shalt  }
0x4a: {  	_ =	shalt  }
0x4b: {  	_ =	shalt  }
0x4c: {  	_ =	shalt  }
0x4d: {  	_ =	shalt  }
0x4e: {  	_ =	shalt  }
0x4f: {  	_ =	shalt  }
0x50: {  	_ =	shalt  }
0x51: {  	_ =	shalt  }
0x52: {  	_ =	shalt  }
0x53: {  	_ =	shalt  }
0x54: {  	_ =	shalt  }
0x55: {  	_ =	shalt  }
0x56: {  	_ =	shalt  }
0x57: {  	_ =	shalt  }
0x58: {  	_ =	shalt  }
0x59: {  	_ =	shalt  }
0x5a: {  	_ =	shalt  }
0x5b: {  	_ =	shalt  }
0x5c: {  	_ =	shalt  }
0x5d: {  	_ =	shalt  }
0x5e: {  	_ =	shalt  }
0x5f: {  	_ =	shalt  }
0x60: {  	_ =	shalt  }
0x61: {  	_ =	shalt  }
0x62: {  	_ =	shalt  }
0x63: {  	_ =	shalt  }
0x64: {  	_ =	shalt  }
0x65: {  	_ =	shalt  }
0x66: {  	_ =	shalt  }
0x67: {  	_ =	shalt  }
0x68: {  	_ =	shalt  }
0x69: {  	_ =	shalt  }
0x6a: {  	_ =	shalt  }
0x6b: {  	_ =	shalt  }
0x6c: {  	_ =	shalt  }
0x6d: {  	_ =	shalt  }
0x6e: {  	_ =	shalt  }
0x6f: {  	_ =	shalt  }
0x70: {  	_ =	shalt  }
0x71: {  	_ =	shalt  }
0x72: {  	_ =	shalt  }
0x73: {  	_ =	shalt  }
0x74: {  	_ =	shalt  }
0x75: {  	_ =	shalt  }
0x76: {  	_ =	shalt  }
0x77: {  	_ =	shalt  }
0x78: {  	_ =	shalt  }
0x79: {  	_ =	shalt  }
0x7a: {  	_ =	shalt  }
0x7b: {  	_ =	shalt  }
0x7c: {  	_ =	shalt  }
0x7d: {  	_ =	shalt  }
0x7e: {  	_ =	shalt  }
0x7f: {  	_ =	shalt  }
0x80: {  	_ =	shalt  }
0x81: {  	_ =	shalt  }
0x82: {  	_ =	shalt  }
0x83: {  	_ =	shalt  }
0x84: {  	_ =	shalt  }
0x85: {  	_ =	shalt  }
0x86: {  	_ =	shalt  }
0x87: {  	_ =	shalt  }
.Lfunc_end0:
.L_simem_size_0:
called_computation_lowered:
.L_overlay_start_0:
0x88: {  	s2 =	sld [smem:$0x3FD9]  }
0x89: {  	s3 =	sld [smem:$0x3FFE];
	_ =	sdelay $0x1  }
0x8a: {  	s1 =	srdreg.scid  }
0x8b: {  	s0 =	sand.u32 $0x1, s1  }
0x8c: {  	s17 =	sshll.u32 s0, $0xA;
	s2 =	sadd.s32 s3, s2  }
0x8d: {  	s2 =	sadd.s32 s2, s17  }
0x8e: {  	[smem:$0x3FC6] =	sst s2  }
0x8f: {  	_ = 	snop  }
0x90: {  	s2 =	sld [smem:$0x3FC9]  }
0x91: {  	s18 =	sld [smem:$0x3FC8]  }
0x92: {  	s4 =	sld [smem:$0x3FD0];
	(tm) =	ssettm $0x1  }
0x93: {  	s5 =	sld [smem:$0x3FFB];
	_ =	sdelay $0x3  }
0x94: {  	_ =	strace s5  }
0x95: {  	s5 =	sld [smem:$0x3FFC];
	_ =	sdelay $0x3  }
0x96: {  	_ =	strace s5  }
0x97: {  	s5 =	sld [smem:$0x3FFD];
	_ =	sdelay $0x3  }
0x98: {  	_ =	strace s5  }
0x99: {  	_ =	strace $0x8FFFFFFF  }
0x9a: {  	s19 =	sld [smem:$0x3FDB];
	_ =	sdelay $0x1  }
0x9b: {  	s6 =	simm.s32 $_scs_section_size  }
0x9c: {  	s7 =	simm.s32 $_size__tile_overlayer_lowered;
	s8 =	simm.s32 $_tile_overlayer_lowered  }
0x9d: {  	s22 =	simm.s32 $0x1BFF;
	s21 =	sshll.u32 s8, $0x1;
	s5 =	sadd.s32 s6, s19  }
0x9e: {  	s9 =	simm.s32 $0x0;
	s20 =	sshll.u32 s7, $0x1;
	s7 =	sadd.s32 s21, s5  }
0x9f: {  	[timem:s9], [sflag:s22] =	dma.local [hbm:s7], s20  }
0xa0: {  	_ =	swait.ge [sflag:s22], s20  }
0xa1: {  	s6 =	ssub.s32 $0x0, s20;
	[sflag:s22] =	ssyncset.done $0x0  }
0xa2: {  	[sflag:s22] =	ssyncadd.s32 s6;
	_ =	sdelay $0x1  }
0xa3: {  	s23 =	simm.s32 $0x1B8B  }
0xa4: {  	_ =	swait.ge [sflag:s23], $0x1  }
0xa5: {  	[sflag:s23] =	ssyncset.done $0x0  }
0xa6: {  	s25 =	simm.s32 $0x1B8E;
	s24 =	sld [smem:$0x3FFE];
	[sflag:s23] =	ssyncadd.s32 $0xFFFFFFFF  }
0xa7: {  	s26 =	simm.s32 $execute0_lowered;
	[smem:$0x3FD2] =	sst s25  }
0xa8: {  	s7 =	sshll.u32 s26, $0x1;
	_ =	strace $0x80000046;
	[dreg:$0x1] =	wrdreg $0xFFFFFFFF  }
0xa9: {  	s28 =	simm.s32 $_size_execute0_lowered;
	s5 =	sadd.s32 s5, s7;
	[dreg:$0x0] =	wrdreg $0x0  }
0xaa: {  	s7 =	sshll.u32 s28, $0x1;
	[dreg:$0x2] =	wrdreg s5  }
0xab: {  	[dreg:$0x3] =	wrdreg s7  }
0xac: {  	[dreg:$0x4] =	wrdreg $0xC0  }
0xad: {  	_ =	task [dreg:s9], $0x5FFFF  }
0xae: {  	[dreg:$0x1] =	wrdreg $0xFFFFFFFF  }
0xaf: {  	[dreg:$0x0] =	wrdreg $0x60  }
0xb0: {  	[dreg:$0x2] =	wrdreg s2  }
0xb1: {  	[dreg:$0x3] =	wrdreg s18  }
0xb2: {  	[dreg:$0x4] =	wrdreg s4  }
0xb3: {  	[dreg:$0x5] =	wrdreg s24  }
0xb4: {  	[dreg:$0x6] =	wrdreg $0x9  }
0xb5: {  	_ =	task.clear_ibuf [dreg:s9], $0x7FFFF;
	_ =	strace $0x90000046  }
0xb6: {  	s29 =	simm.s32 $0x9;
	_ =	strace $0x80000048  }
0xb7: {  	_ =	swait.ge [sflag:s29], $0x1  }
0xb8: {  	[sflag:s29] =	ssyncadd.s32 $0xFFFFFFFF  }
0xb9: {  	_ =	strace $0x90000048  }
0xba: {  	_ =	sfence  }
0xbb: {  	s30 =	sld [smem:$0x0];
	_ =	sdelay $0x2  }
0xbc: {  	s31 =	sshll.u32 s1, $0xD;
	s1 =	sshrl.u32 s1, $0x2  }
0xbd: {  	s3 =	sand.u32 $0x4000, s31;
	s1 =	sadd.s32 s1, s30  }
0xbe: {  	s0 =	sor.u32 s3, s0;
	s1 =	sshll.u32 s1, $0x11  }
0xbf: {  	s0 =	sor.u32 s1, s0  }
0xc0: {  	s0 =	sadd.s32 $0x8F2B, s0  }
0xc1: {  	[sflag:s0] =	ssyncadd.remote.s32 $0x1  }
0xc2: {  	_ =	sfence.sel $0xFFFF  }
0xc3: {  	[dreg:$0x0] =	wrdreg $0xFFFFFFFF;
	(pc) =	sbr.abs _section_cstart, $3  }
0xc4: {  	[dreg:$0x1] =	wrdreg $0xFFFFFFFF  }
0xc5: {  	_ =	task.clear_ibuf [dreg:s9], $0x2FFFF;
	_ =	strace $0x9FFFFFFF  }
0xc6: {  	(tm) =	ssettm $0x7FFFFFFF  }
0xc7: {  	_ =	shalt  }
tec
execute0_lowered:
.L_overlay_start_1:
0x0: {  	(tag) =	ssettag $0x1  }
0x1: {  	s1 =	rddreg [dreg:$0x0]  }
0x2: {  	s2 =	rddreg [dreg:$0x1]  }
0x3: {  	s3 =	srdreg.scid;
	s4 =	rddreg [dreg:$0x2]  }
0x4: {  	s0 =	stileid.u32;
	s8 =	rddreg [dreg:$0x3]  }
0x5: {  	s6 =	simm.s32 $0x0;
	s10 =	simm.s32 $0x1;
	s11 =	simm.s32 $0x80  }
0x6: {  	s12 =	simm.s32 $0x180;
	s7 =	sand.u32 $0x1, s3;
	s30 =	sshll.u32 s0, $0x1  }
.Ltmp0:
0x7: {  	s13 =	simm.s32 $0x6580;
	s5 =	sor.u32 s7, s30;
	(pc) =	sbr.rel .LBB2_1-.Ltmp0, $4  }
0x8: {  	s3 =	rddreg [dreg:$0x4];
	s7 =	ssub.s32 $0x2, s7;
	s9 =	smul.u32 $0x1400, s5  }
0x9: {  	s14 =	simm.s32 $0x0;
	[smem:$0x7FF] =	sst s6;
	s31 =	sshrl.u32 s7, $0x1  }
0xa: {  	_ =	strace $0x80000047;
	s8 =	sadd.s32 s9, s8;
	s9 =	ssub.s32 s7, s31  }
0xb: {  	v0 =	vimm.f32 $1.000000000e+00;
	s7 =	smul.u32 $0xFFFFFEC0, s5;
	s8 =	sadd.s32 $0xA00, s8;
	s9 =	smax.u32 s9, $0x1  }
.LBB2_8:
0xc: {  	s14 =	sadd.s32 $0x1, s14  }
0xd: {  	p0 =	sne.s32 s14, s9  }
.Ltmp1:
0xe: {  	_ = 	snop;
	(pc) =	sbr.rel @!p0 .LBB2_9-.Ltmp1, $4  }
0xf: {  	[hbm4b:s8+s6] =	stream.linear.scatter [tilespmem:s13], [sflag:$0x1], $0xA000, $0x38;
	[tilespmem:$0x10980] =	vst v63  }
0x10: {  	_ =	swait.ge [sflag:s10], $0xA000  }
0x11: {  	[sflag:s10] =	ssyncset.done $0x0  }
0x12: {  	[sflag:s10] =	ssyncadd.s32 $0xFFFF6000  }
.LBB2_1:
0x13: {  	[tilespmem:s6], [sflag:$0x1] =	stream.linear.gather [hbm4b:s4+s6], $0x80, $0x38;
	[tilespmem:$0x10980] =	vst v63  }
0x14: {  	_ =	swait.ge [sflag:s10], $0x80  }
0x15: {  	[sflag:s10] =	ssyncset.done $0x0  }
0x16: {  	[sflag:s10] =	ssyncadd.s32 $0xFFFFFF80  }
0x17: {  	v1 =	vld [tilespmem:s5+$0x0]  }
0x18: {  	s15 =	simm.s32 $0x0;
	s16 =	simm.s32 $0x200;
	v2 =	vld [tilespmem:s5+$0x20]  }
.LBB2_2:
0x19: {  	p0 =	seq.s32 s16, $0x28000;
	[tilespmem:s15+$0x65F0] =	vst v0  }
0x1a: {  	[tilespmem:s15+$0x6580] =	vst v0  }
0x1b: {  	[tilespmem:s15+$0x6590] =	vst v0  }
.Ltmp2:
0x1c: {  	[tilespmem:s15+$0x65A0] =	vst v0;
	(pc) =	sbr.rel @!p0 .LBB2_2-.Ltmp2, $4  }
0x1d: {  	[tilespmem:s15+$0x65B0] =	vst v0  }
0x1e: {  	[tilespmem:s15+$0x65C0] =	vst v0  }
0x1f: {  	[tilespmem:s15+$0x65D0] =	vst v0  }
0x20: {  	[tilespmem:s15+$0x65E0] =	vst v0;
	s15 =	sshra.s32 s16, $0x2;
	s16 =	sadd.s32 $0x200, s16  }
0x21: {  	(v2sf) =	vpush v1, $0x0  }
0x22: {  	(v2sf) =	vpush v2, $0x0;
	_ =	sdelay $0x6  }
0x23: {  	[tilespmem:s15+$0x65F0] =	vst v0  }
0x24: {  	[tilespmem:s15+$0x6580] =	vst v0  }
0x25: {  	[tilespmem:s15+$0x6590] =	vst v0  }
0x26: {  	[tilespmem:s15+$0x65A0] =	vst v0  }
0x27: {  	[tilespmem:s15+$0x65B0] =	vst v0  }
0x28: {  	[tilespmem:s15+$0x65C0] =	vst v0  }
0x29: {  	[tilespmem:s15+$0x65D0] =	vst v0  }
0x2a: {  	[tilespmem:s15+$0x65E0] =	vst v0;
	s15 =	spop (v2sf)  }
0x2b: {  	s16 =	spop (v2sf)  }
0x2c: {  	p0 =	slt.s32 s15, s16  }
.Ltmp3:
0x2d: {  	_ = 	snop;
	(pc) =	sbr.rel @!p0 .LBB2_8-.Ltmp3, $1  }
0x2e: {  	_ =	sdelay $0x3  }
0x2f: {  	v8 =	vimm.f32 $1.000000000e+00;
	v7 =	vimm.f32 $1.000000000e+00  }
0x30: {  	v6 =	vimm.f32 $1.000000000e+00;
	v5 =	vimm.f32 $1.000000000e+00;
	v4 =	vimm.f32 $1.000000000e+00  }
0x31: {  	s19 =	simm.s32 $0xFFFFFFFF;
	v3 =	vimm.f32 $1.000000000e+00;
	v2 =	vimm.f32 $1.000000000e+00;
	v1 =	vimm.f32 $1.000000000e+00  }
.LBB2_5:
0x32: {  	s17 =	smul.u32 $0xC8, s15;
	_ =	sdelay $0x1  }
0x33: {  	s17 =	sshrl.u32 s17, $0x3  }
0x34: {  	s18 =	simm.s32 $0x0;
	s30 =	smul.u32 $0x6400, s15;
	s17 =	sadd.s32 s2, s17  }
0x35: {  	[tilespmem:s11], [sflag:$0x1] =	stream.linear.gather [hbm4b:s17+s18], $0xC8, $0x38;
	[tilespmem:$0x10980] =	vst v63  }
0x36: {  	_ =	swait.ge [sflag:s10], $0xC8  }
0x37: {  	s17 =	sshrl.u32 s30, $0x3;
	[sflag:s10] =	ssyncset.done $0x0  }
0x38: {  	s17 =	sadd.s32 s1, s17;
	[sflag:s10] =	ssyncadd.s32 $0xFFFFFF38  }
0x39: {  	[tilespmem:s12], [sflag:$0x1] =	stream.linear.gather [hbm4b:s17+s18], $0x6400, $0x38;
	[tilespmem:$0x10980] =	vst v63  }
0x3a: {  	_ =	swait.ge [sflag:s10], $0x6400  }
0x3b: {  	[sflag:s10] =	ssyncset.done $0x0  }
0x3c: {  	s31 =	simm.s32 $0x0;
	[sflag:s10] =	ssyncadd.s32 $0xFFFF9C00  }
0x3d: {  	v9 =	vld [tilespmem:s31+$0x80];
	_ =	sdelay $0x4  }
0x3e: {  	(v2sf) =	vpush v9, $0x0;
	_ =	sdelay $0xe  }
0x3f: {  	s17 =	spop (v2sf)  }
0x40: {  	s18 =	simm.s32 $0x1C0;
	p0 =	seq.s32 s17, s19;
	s19 =	simm.f32 $1.000000000e+00  }
0x41: {  	v9 =	vld [tilespmem:s18+$0xFFFFFFC0];
	s19 =	simm.s32 @!p0 $0x0  }
0x42: {  	s20 =	ssub.f32 $1.000000000e+00, s19;
	v1 =	vmul.f32 s19, v1;
	_ =	sdelay $0x1  }
0x43: {  	v1 =	vadd.f32 s20, v1  }
0x44: {  	s21 =	sadd.s32 s7, s17  }
0x45: {  	s21 =	smin.u32 s21, $0x140;
	v1 =	vmul.f32 v1, v9  }
0x46: {  	s21 =	sshll.u32 s21, $0x7  }
0x47: {  	[tilespmem:s21+$0x6580] =	vst v1  }
0x48: {  	v9 =	vld [tilespmem:s18+$0xFFFFFFD0]  }
0x49: {  	v2 =	vmul.f32 s19, v2;
	_ =	sdelay $0x1  }
0x4a: {  	v2 =	vadd.f32 s20, v2;
	_ =	sdelay $0x1  }
0x4b: {  	v2 =	vmul.f32 v2, v9;
	_ =	sdelay $0x1  }
0x4c: {  	[tilespmem:s21+$0x6590] =	vst v2  }
0x4d: {  	v9 =	vld [tilespmem:s18+$0xFFFFFFE0]  }
0x4e: {  	v3 =	vmul.f32 s19, v3;
	_ =	sdelay $0x1  }
0x4f: {  	v3 =	vadd.f32 s20, v3;
	_ =	sdelay $0x1  }
0x50: {  	v3 =	vmul.f32 v3, v9;
	_ =	sdelay $0x1  }
0x51: {  	[tilespmem:s21+$0x65A0] =	vst v3  }
0x52: {  	v9 =	vld [tilespmem:s18+$0xFFFFFFF0]  }
0x53: {  	v4 =	vmul.f32 s19, v4;
	_ =	sdelay $0x1  }
0x54: {  	v4 =	vadd.f32 s20, v4;
	_ =	sdelay $0x1  }
0x55: {  	v4 =	vmul.f32 v4, v9;
	_ =	sdelay $0x1  }
0x56: {  	[tilespmem:s21+$0x65B0] =	vst v4  }
0x57: {  	v9 =	vld [tilespmem:s18+$0x0]  }
0x58: {  	v5 =	vmul.f32 s19, v5;
	_ =	sdelay $0x1  }
0x59: {  	v5 =	vadd.f32 s20, v5;
	_ =	sdelay $0x1  }
0x5a: {  	v5 =	vmul.f32 v9, v5;
	_ =	sdelay $0x1  }
0x5b: {  	[tilespmem:s21+$0x65C0] =	vst v5  }
0x5c: {  	v9 =	vld [tilespmem:s18+$0x10]  }
0x5d: {  	v6 =	vmul.f32 s19, v6;
	_ =	sdelay $0x1  }
0x5e: {  	v6 =	vadd.f32 s20, v6;
	_ =	sdelay $0x1  }
0x5f: {  	v6 =	vmul.f32 v9, v6;
	_ =	sdelay $0x1  }
0x60: {  	[tilespmem:s21+$0x65D0] =	vst v6  }
0x61: {  	v9 =	vld [tilespmem:s18+$0x20]  }
0x62: {  	v7 =	vmul.f32 s19, v7;
	_ =	sdelay $0x1  }
0x63: {  	v7 =	vadd.f32 s20, v7;
	_ =	sdelay $0x1  }
0x64: {  	v7 =	vmul.f32 v9, v7;
	_ =	sdelay $0x1  }
0x65: {  	[tilespmem:s21+$0x65E0] =	vst v7  }
0x66: {  	v9 =	vld [tilespmem:s18+$0x30]  }
0x67: {  	v8 =	vmul.f32 s19, v8;
	_ =	sdelay $0x1  }
0x68: {  	v8 =	vadd.f32 s20, v8;
	_ =	sdelay $0x1  }
0x69: {  	s22 =	simm.s32 $0x8;
	s19 =	simm.s32 $0x4;
	v8 =	vmul.f32 v9, v8  }
.LBB2_6:
0x6a: {  	s23 =	sshra.s32 s19, $0x2  }
0x6b: {  	s18 =	sadd.s32 $0x80, s18;
	s19 =	smov.u32 s22;
	s20 =	sadd.s32 $0x4, s22;
	[tilespmem:s21+$0x65F0] =	vst v8  }
0x6c: {  	p0 =	sne.s32 s22, $0x31C;
	v9 =	vld [tilespmem:s23+$0x80];
	_ =	sdelay $0x4  }
0x6d: {  	(v2sf) =	vpush v9, $0x0;
	_ =	sdelay $0xe  }
0x6e: {  	s23 =	simm.f32 $1.000000000e+00;
	s21 =	spop (v2sf)  }
0x6f: {  	p1 =	seq.s32 s21, s17;
	s22 =	sadd.s32 s7, s21;
	s17 =	smov.u32 s21  }
0x70: {  	s23 =	simm.s32 @!p1 $0x0;
	s21 =	smin.u32 s22, $0x140;
	v9 =	vld [tilespmem:s18+$0xFFFFFFC0]  }
0x71: {  	s22 =	ssub.f32 $1.000000000e+00, s23;
	v1 =	vmul.f32 s23, v1;
	v2 =	vmul.f32 s23, v2  }
0x72: {  	v3 =	vmul.f32 s23, v3;
	v4 =	vmul.f32 s23, v4  }
0x73: {  	v5 =	vmul.f32 s23, v5;
	v1 =	vadd.f32 s22, v1;
	v2 =	vadd.f32 s22, v2  }
0x74: {  	v6 =	vmul.f32 s23, v6;
	v3 =	vadd.f32 s22, v3;
	v4 =	vadd.f32 s22, v4  }
0x75: {  	v7 =	vmul.f32 s23, v7;
	v5 =	vadd.f32 s22, v5;
	v1 =	vmul.f32 v1, v9  }
0x76: {  	s21 =	sshll.u32 s21, $0x7;
	v8 =	vmul.f32 s23, v8;
	v6 =	vadd.f32 s22, v6  }
0x77: {  	v7 =	vadd.f32 s22, v7;
	[tilespmem:s21+$0x6580] =	vst v1  }
0x78: {  	v8 =	vadd.f32 s22, v8;
	v9 =	vld [tilespmem:s18+$0xFFFFFFD0];
	_ =	sdelay $0x4  }
0x79: {  	v2 =	vmul.f32 v2, v9;
	_ =	sdelay $0x1  }
0x7a: {  	[tilespmem:s21+$0x6590] =	vst v2  }
0x7b: {  	v9 =	vld [tilespmem:s18+$0xFFFFFFE0];
	_ =	sdelay $0x4  }
0x7c: {  	v3 =	vmul.f32 v3, v9;
	_ =	sdelay $0x1  }
0x7d: {  	[tilespmem:s21+$0x65A0] =	vst v3  }
0x7e: {  	v9 =	vld [tilespmem:s18+$0xFFFFFFF0];
	_ =	sdelay $0x4  }
0x7f: {  	v4 =	vmul.f32 v4, v9;
	_ =	sdelay $0x1  }
0x80: {  	[tilespmem:s21+$0x65B0] =	vst v4  }
0x81: {  	v9 =	vld [tilespmem:s18+$0x0];
	_ =	sdelay $0x4  }
0x82: {  	v5 =	vmul.f32 v9, v5;
	_ =	sdelay $0x1  }
0x83: {  	[tilespmem:s21+$0x65C0] =	vst v5  }
0x84: {  	v9 =	vld [tilespmem:s18+$0x10];
	_ =	sdelay $0x4  }
0x85: {  	v6 =	vmul.f32 v9, v6;
	_ =	sdelay $0x1  }
0x86: {  	[tilespmem:s21+$0x65D0] =	vst v6  }
0x87: {  	v9 =	vld [tilespmem:s18+$0x20];
	_ =	sdelay $0x4  }
0x88: {  	v7 =	vmul.f32 v9, v7;
	_ =	sdelay $0x1  }
0x89: {  	[tilespmem:s21+$0x65E0] =	vst v7  }
0x8a: {  	v9 =	vld [tilespmem:s18+$0x30]  }
.Ltmp4:
0x8b: {  	(pc) =	sbr.rel @p0 .LBB2_6-.Ltmp4, $2  }
0x8c: {  	_ =	sdelay $0x2  }
0x8d: {  	s22 =	smov.u32 s20;
	v8 =	vmul.f32 v9, v8  }
0x8e: {  	_ = 	snop  }
0x8f: {  	s19 =	sshra.s32 s19, $0x2;
	[tilespmem:s21+$0x65F0] =	vst v8  }
0x90: {  	v9 =	vld [tilespmem:s19+$0x80];
	_ =	sdelay $0x4  }
0x91: {  	(v2sf) =	vpush v9, $0x0;
	_ =	sdelay $0xe  }
0x92: {  	s19 =	spop (v2sf)  }
0x93: {  	s18 =	sadd.s32 $0x80, s18;
	p0 =	seq.s32 s19, s17;
	s17 =	simm.f32 $1.000000000e+00  }
0x94: {  	v9 =	vld [tilespmem:s18+$0xFFFFFFC0];
	s17 =	simm.s32 @!p0 $0x0  }
0x95: {  	s20 =	ssub.f32 $1.000000000e+00, s17;
	v1 =	vmul.f32 s17, v1;
	_ =	sdelay $0x1  }
0x96: {  	v1 =	vadd.f32 s20, v1  }
0x97: {  	s31 =	sadd.s32 s7, s19  }
0x98: {  	s21 =	smin.u32 s31, $0x140;
	v1 =	vmul.f32 v1, v9  }
0x99: {  	s21 =	sshll.u32 s21, $0x7  }
0x9a: {  	[tilespmem:s21+$0x6580] =	vst v1  }
0x9b: {  	v9 =	vld [tilespmem:s18+$0xFFFFFFD0]  }
0x9c: {  	v2 =	vmul.f32 s17, v2;
	_ =	sdelay $0x1  }
0x9d: {  	v2 =	vadd.f32 s20, v2;
	_ =	sdelay $0x1  }
0x9e: {  	v2 =	vmul.f32 v2, v9;
	_ =	sdelay $0x1  }
0x9f: {  	[tilespmem:s21+$0x6590] =	vst v2  }
0xa0: {  	v9 =	vld [tilespmem:s18+$0xFFFFFFE0]  }
0xa1: {  	v3 =	vmul.f32 s17, v3;
	_ =	sdelay $0x1  }
0xa2: {  	v3 =	vadd.f32 s20, v3;
	_ =	sdelay $0x1  }
0xa3: {  	v3 =	vmul.f32 v3, v9;
	_ =	sdelay $0x1  }
0xa4: {  	[tilespmem:s21+$0x65A0] =	vst v3  }
0xa5: {  	v9 =	vld [tilespmem:s18+$0xFFFFFFF0]  }
0xa6: {  	v4 =	vmul.f32 s17, v4;
	_ =	sdelay $0x1  }
0xa7: {  	v4 =	vadd.f32 s20, v4;
	_ =	sdelay $0x1  }
0xa8: {  	v4 =	vmul.f32 v4, v9;
	_ =	sdelay $0x1  }
0xa9: {  	[tilespmem:s21+$0x65B0] =	vst v4  }
0xaa: {  	v9 =	vld [tilespmem:s18+$0x0]  }
0xab: {  	v5 =	vmul.f32 s17, v5;
	_ =	sdelay $0x1  }
0xac: {  	v5 =	vadd.f32 s20, v5;
	_ =	sdelay $0x1  }
0xad: {  	v5 =	vmul.f32 v9, v5;
	_ =	sdelay $0x1  }
0xae: {  	[tilespmem:s21+$0x65C0] =	vst v5  }
0xaf: {  	v9 =	vld [tilespmem:s18+$0x10]  }
0xb0: {  	v6 =	vmul.f32 s17, v6;
	_ =	sdelay $0x1  }
0xb1: {  	v6 =	vadd.f32 s20, v6;
	_ =	sdelay $0x1  }
0xb2: {  	v6 =	vmul.f32 v9, v6;
	_ =	sdelay $0x1  }
0xb3: {  	[tilespmem:s21+$0x65D0] =	vst v6  }
0xb4: {  	v9 =	vld [tilespmem:s18+$0x20]  }
0xb5: {  	v7 =	vmul.f32 s17, v7;
	_ =	sdelay $0x1  }
0xb6: {  	v7 =	vadd.f32 s20, v7;
	_ =	sdelay $0x1  }
0xb7: {  	v7 =	vmul.f32 v9, v7;
	_ =	sdelay $0x1  }
0xb8: {  	[tilespmem:s21+$0x65E0] =	vst v7  }
0xb9: {  	v9 =	vld [tilespmem:s18+$0x30]  }
0xba: {  	s15 =	sadd.s32 $0x1, s15;
	v8 =	vmul.f32 s17, v8  }
0xbb: {  	p0 =	sne.s32 s15, s16  }
.Ltmp5:
0xbc: {  	v8 =	vadd.f32 s20, v8;
	(pc) =	sbr.rel @p0 .LBB2_5-.Ltmp5, $4  }
.Ltmp6:
0xbd: {  	_ = 	snop;
	(pc) =	sbr.rel @!p0 .LBB2_8-.Ltmp6, $4  }
0xbe: {  	v8 =	vmul.f32 v9, v8  }
0xbf: {  	_ = 	snop  }
0xc0: {  	[tilespmem:s21+$0x65F0] =	vst v8  }
0xc1: {  	_ = 	snop  }
.LBB2_9:
0xc2: {  	_ =	sfence.sel $0x180000  }
0xc3: {  	[bflag:$0x0] =	sbarrier.arrive $0xFFFF  }
0xc4: {  	p0 =	sne.s32 s0, $0x0;
	_ =	strace $0x90000047  }
0xc5: {  	s0 =	sadd.s32 @!p0 $0x100000, s3;
	[bflag:$0x2] =	sbarrier.arrive $0xFFFF  }
0xc6: {  	[sflag:s0] =	ssyncadd.tile.s32 @!p0 $0x1;
	_ =	shalt  }
.Lfunc_end2:
_tile_overlayer_lowered:
.L_overlay_start_2:
0xc7: {  	(tag) =	ssettag $0x2  }
0xc8: {  	s0 =	rddreg [dreg:$0x0];
	s2 =	stileid.u32  }
0xc9: {  	s1 =	rddreg [dreg:$0x1];
	p0 =	sne.s32 s2, $0x0  }
0xca: {  	s3 =	rddreg [dreg:$0x2];
	[bflag:$0x3] =	sbarrier.arrive $0xFFFF;
	s2 =	simm.s32 @!p0 $0x1C01  }
0xcb: {  	[timem:s3], [sflag:s2] =	dma.local @!p0 [hbm:s0], s1  }
0xcc: {  	s0 =	simm.s32 @!p0 $0x1  }
0xcd: {  	_ =	swait.ge @!p0 [sflag:s0], s1  }
0xce: {  	s1 =	ssub.s32 @!p0 $0x0, s1;
	[sflag:s0] =	ssyncset.done @!p0 $0x0  }
0xcf: {  	[sflag:s0] =	ssyncadd.s32 @!p0 s1  }
0xd0: {  	[bflag:$0x3] =	sbarrier.arrive $0xFFFF  }
0xd1: {  	_ =	shalt  }

</sc_bundles>
